<compile_context>
chip_gen: v7x
topology: tpu7x:2x2x1
jax: 0.10.2.dev20260603
libtpu: 0.0.44.dev20260713+nightly
codegen_flags: <defaults>
</compile_context>

<pallas_src>
import functools

import jax
import jax.numpy as jnp
from jax import lax
from jax.experimental import pallas as pl
from jax.experimental.pallas import tpu as pltpu
from jax.experimental.pallas import tpu_sc as plsc


@functools.lru_cache(maxsize=None)
def _make_sc_gather(V, D, B):
    info = plsc.get_sparse_core_info()
    NC, NS = 1, info.num_subcores
    NW = NC * NS
    assert B % (8 * NW) == 0
    b_per_w = B // NW
    mesh = plsc.VectorSubcoreMesh(
        core_axis_name="c", subcore_axis_name="s", num_cores=1
    )

    @functools.partial(
        pl.kernel,
        mesh=mesh,
        out_type=jax.ShapeDtypeStruct((B, D), jnp.float32),
        scratch_types=[
            pltpu.VMEM((b_per_w,), jnp.int32),
            pltpu.VMEM((b_per_w, D), jnp.float32),
            pltpu.SemaphoreType.DMA,
        ],
    )
    def gather(table_hbm, idx_hbm, out_hbm, idx_v, rows_v, sem):
        wid = lax.axis_index("s") * NC + lax.axis_index("c")
        base = wid * b_per_w
        pltpu.sync_copy(idx_hbm.at[pl.ds(base, b_per_w)], idx_v)
        pltpu.async_copy(table_hbm.at[idx_v], rows_v, sem).wait()
        pltpu.sync_copy(rows_v, out_hbm.at[pl.ds(base, b_per_w)])

    return gather


_BIG = 3.0e38


def _dot(a, b, prec):
    return lax.dot_general(
        a, b, (((1,), (1,)), ((), ())),
        preferred_element_type=jnp.float32, precision=prec,
    )


def _dist_body(x_ref, c_ref, dup_ref, dist_ref, ids_ref):
    for i in range(x_ref.shape[0]):
        _dist_one(x_ref[i], c_ref[i], dup_ref[i], dist_ref.at[i], ids_ref.at[i])


def _dist_one(x, c, dup, dist_ref, ids_ref):
    N, F = x.shape
    K = c.shape[0]
    hi = lax.Precision.HIGHEST
    x2 = jnp.sum(x * x, axis=1, keepdims=True)
    c2 = jnp.sum(c * c, axis=1)[None, :]
    g = _dot(x, c, hi)
    d2 = jnp.maximum(x2 + c2 - 2.0 * g, 0.0)
    dist = jnp.sqrt(d2)
    dist_ref[...] = dist
    kf = lax.broadcasted_iota(jnp.int32, (N, K), 1).astype(jnp.float32)
    fK = float(K)
    dist_a = jnp.where(dup == 1.0, _BIG, dist)
    m1 = jnp.min(dist_a, axis=1, keepdims=True)
    k1 = jnp.min(jnp.where(dist_a == m1, kf, fK), axis=1, keepdims=True)
    mask1 = kf == k1
    dist_x = jnp.where(mask1, _BIG, dist_a)
    m2 = jnp.min(dist_x, axis=1, keepdims=True)
    k2 = jnp.min(jnp.where(dist_x == m2, kf, fK), axis=1, keepdims=True)
    mask2 = kf == k2
    c0 = c.astype(jnp.bfloat16)
    r1 = c - c0.astype(jnp.float32)
    c1 = r1.astype(jnp.bfloat16)
    c2b = (r1 - c1.astype(jnp.float32)).astype(jnp.bfloat16)

    def gath(mask):
        oh = mask.astype(jnp.float32).astype(jnp.bfloat16)
        acc = lax.dot_general(
            oh, c0, (((1,), (0,)), ((), ())),
            preferred_element_type=jnp.float32)
        for cc in (c1, c2b):
            acc = acc + lax.dot_general(
                oh, cc, (((1,), (0,)), ((), ())),
                preferred_element_type=jnp.float32)
        return acc

    ids_ref[...] = k1.astype(jnp.int32)
    gap = m2 - m1
    CH = 256
    for j in range(N // CH):
        lo, hi_ = j * CH, (j + 1) * CH

        @pl.when(jnp.min(gap[lo:hi_]) < 1e-4)
        def _refine(lo=lo, hi_=hi_):
            xc = x[lo:hi_]
            z1 = xc - gath(mask1[lo:hi_])
            z2 = xc - gath(mask2[lo:hi_])
            s1 = jnp.sqrt(jnp.sum(z1 * z1, axis=1, keepdims=True))
            s2 = jnp.sqrt(jnp.sum(z2 * z2, axis=1, keepdims=True))
            k1c, k2c = k1[lo:hi_], k2[lo:hi_]
            ids = jnp.where(s2 < s1, k2c, k1c)
            ids = jnp.where(s1 == s2, jnp.minimum(k1c, k2c), ids)
            ids_ref[lo:hi_] = ids.astype(jnp.int32)


def _distance(data, cents, dup):
    B, N, F = data.shape
    K = cents.shape[1]
    return pl.pallas_call(
        _dist_body,
        grid=(B,),
        in_specs=[
            pl.BlockSpec((1, N, F), lambda b: (b, 0, 0)),
            pl.BlockSpec((1, K, F), lambda b: (b, 0, 0)),
            pl.BlockSpec((1, 1, K), lambda b: (b, 0, 0)),
        ],
        out_specs=[
            pl.BlockSpec((1, N, K), lambda b: (b, 0, 0)),
            pl.BlockSpec((1, N, 1), lambda b: (b, 0, 0)),
        ],
        out_shape=[
            jax.ShapeDtypeStruct((B, N, K), jnp.float32),
            jax.ShapeDtypeStruct((B, N, 1), jnp.int32),
        ],
    )(data, cents, dup)


def kernel(data, centroid_ids):
    B, N, F = data.shape
    K = centroid_ids.shape[1]
    flat_ids = centroid_ids.reshape(B * K)
    table = data.reshape(B * N, F)
    cents = _make_sc_gather(B * N, F, B * K)(table, flat_ids)
    kk = jnp.arange(K)
    eq = centroid_ids[:, :, None] == centroid_ids[:, None, :]
    dup = jnp.any(eq & (kk[None, :] < kk[:, None])[None], axis=2)
    dup = dup.astype(jnp.float32).reshape(B, 1, K)
    dist, ids3 = _distance(data, cents.reshape(B, K, F), dup)
    return dist, ids3.reshape(B, N)

# --- scband reference (transcript-rebuilt; emitter-appended) ---
"""Pipeline reference for scband-kmeans-base-24043226923147 (READ-ONLY COPY).

The authoritative reference and input builder live on the scoring server;
editing this copy changes nothing except your own understanding.
"""

import jax, jax.numpy as jnp
import numpy as np


def setup_inputs(seed: int = 0) -> dict:
    key = jax.random.key(seed)
    k1, k2 = jax.random.split(key)
    B, N, F, K = 4, 2048, 128, 64
    data = jax.random.normal(k1, (B, N, F), dtype=jnp.float32)
    # random init centroid ids, values in [0, num_samples) like random.sample(range(num_samples), K)
    centroid_ids = jax.random.randint(k2, (B, K), 0, N, dtype=jnp.int32)
    return {"data": data, "centroid_ids": centroid_ids}


def compute_distance(x, y, axis=-1, keepdims=False):
    return jnp.linalg.norm(x - y, axis=axis, keepdims=keepdims)


def reference(data, centroid_ids):
    # Faithful translation of KMeansBase.__init__ body (the module's only computation).
    B, N, F = data.shape
    K = centroid_ids.shape[1]
    flat_ids = centroid_ids.reshape(B * K)
    flatten_data = data.reshape(B * N, F)
    # NOTE: original torch code indexes the flattened data with per-batch sample ids
    # (values in [0, num_samples)); we replicate that behavior faithfully.
    flatten_centroids = flatten_data[flat_ids]
    centroids = flatten_centroids.reshape(B, K, F)
    distance = compute_distance(data[:, :, None, :], centroids[:, None, :, :], axis=3)
    cluster_ids = jnp.argmin(distance, axis=2)
    return distance, cluster_ids

if __name__ == "__main__":
    import jax
    _d = setup_inputs()
    print(jax.jit(kernel)(*tuple(_d.values())))

</pallas_src>

<mosaic_0001>
#map = affine_map<(d0, d1) -> (0, 0)>
#map1 = affine_map<(d0, d1) -> (0)>
module attributes {stable_mosaic.version = 14 : i64} {
  func.func @gather(%arg0: i32, %arg1: i32, %arg2: memref<8192x128xf32, #tpu.memory_space<hbm>>, %arg3: memref<256xi32, #tpu.memory_space<hbm>>, %arg4: memref<256x128xf32, #tpu.memory_space<hbm>>, %arg5: memref<16xi32, #tpu.memory_space<vmem>>, %arg6: memref<16x128xf32, #tpu.memory_space<vmem>>, %arg7: memref<!tpu.dma_semaphore, #tpu.memory_space<semaphore_mem>>) attributes {dimension_semantics = [#tpu.dimension_semantics<core_parallel>, #tpu.dimension_semantics<subcore_parallel>], iteration_bounds = array<i64: 1, 16>, scalar_prefetch = 0 : i64, scratch_operands = 3 : i64, tpu.core_type = #tpu.core_type<sc_vector_subcore>, window_params = [{transform_indices = #map}, {transform_indices = #map1}, {transform_indices = #map}]} {
    %mul3A = arith.constant 1 : i32
    %mul3A_0 = arith.muli %arg1, %mul3A : i32
    %add3A = arith.addi %mul3A_0, %arg0 : i32
    %mul3A_1 = arith.constant 16 : i32
    %mul3A_2 = arith.muli %add3A, %mul3A_1 : i32
    "tpu.region"() ({
      %run_scoped3A = tpu.sem_alloc : memref<!tpu.dma_semaphore, #tpu.memory_space<semaphore_mem>>
      %dma_start3A_7 = tpu.memref_slice %arg3[%mul3A_2] : memref<256xi32, #tpu.memory_space<hbm>> -> memref<16xi32, #tpu.memory_space<hbm>>
      %dma_start3A_8 = tpu.memref_slice %arg3[%mul3A_2] : memref<256xi32, #tpu.memory_space<hbm>> -> memref<16xi32, #tpu.memory_space<hbm>>
      tpu.enqueue_dma source(%dma_start3A_8 : memref<16xi32, #tpu.memory_space<hbm>>) target(%arg5 : memref<16xi32, #tpu.memory_space<vmem>>) target_semaphore(%run_scoped3A : memref<!tpu.dma_semaphore, #tpu.memory_space<semaphore_mem>>)
      %dma_wait3A_9 = tpu.memref_slice %arg3[%mul3A_2] : memref<256xi32, #tpu.memory_space<hbm>> -> memref<16xi32, #tpu.memory_space<hbm>>
      %dma_wait3A_10 = tpu.memref_slice %arg3[%mul3A_2] : memref<256xi32, #tpu.memory_space<hbm>> -> memref<16xi32, #tpu.memory_space<hbm>>
      tpu.wait_dma2 semaphore(%run_scoped3A : memref<!tpu.dma_semaphore, #tpu.memory_space<semaphore_mem>>) src(%dma_wait3A_10 : memref<16xi32, #tpu.memory_space<hbm>>) dst(%arg5 : memref<16xi32, #tpu.memory_space<vmem>>)
      tpu.yield
    }) : () -> ()
    %dma_start3A = arith.constant 0 : i32
    %dma_start3A_3 = arith.constant 0 : i32
    %dma_start3A_4 = tpu.memref_slice %arg2[%dma_start3A, %dma_start3A_3] : memref<8192x128xf32, #tpu.memory_space<hbm>> -> memref<8192x128xf32, #tpu.memory_space<hbm>>
    tpu.enqueue_indirect_dma source(%dma_start3A_4 : memref<8192x128xf32, #tpu.memory_space<hbm>>) target(%arg6 : memref<16x128xf32, #tpu.memory_space<vmem>>) offsets(%arg5 : memref<16xi32, #tpu.memory_space<vmem>>) semaphore(%arg7 : memref<!tpu.dma_semaphore, #tpu.memory_space<semaphore_mem>>)
    %dma_wait3A = arith.constant 0 : i32
    %dma_wait3A_5 = arith.constant 0 : i32
    %dma_wait3A_6 = tpu.memref_slice %arg2[%dma_wait3A, %dma_wait3A_5] : memref<8192x128xf32, #tpu.memory_space<hbm>> -> memref<8192x128xf32, #tpu.memory_space<hbm>>
    tpu.wait_indirect_dma semaphore(%arg7 : memref<!tpu.dma_semaphore, #tpu.memory_space<semaphore_mem>>) src(%dma_wait3A_6 : memref<8192x128xf32, #tpu.memory_space<hbm>>) dst(%arg6 : memref<16x128xf32, #tpu.memory_space<vmem>>)
    "tpu.region"() ({
      %run_scoped3A = tpu.sem_alloc : memref<!tpu.dma_semaphore, #tpu.memory_space<semaphore_mem>>
      %dma_start3A_7 = arith.constant 0 : i32
      %dma_start3A_8 = tpu.memref_slice %arg4[%mul3A_2, %dma_start3A_7] : memref<256x128xf32, #tpu.memory_space<hbm>> -> memref<16x128xf32, #tpu.memory_space<hbm>>
      %dma_start3A_9 = arith.constant 0 : i32
      %dma_start3A_10 = tpu.memref_slice %arg4[%mul3A_2, %dma_start3A_9] : memref<256x128xf32, #tpu.memory_space<hbm>> -> memref<16x128xf32, #tpu.memory_space<hbm>>
      tpu.enqueue_dma source(%arg6 : memref<16x128xf32, #tpu.memory_space<vmem>>) target(%dma_start3A_10 : memref<16x128xf32, #tpu.memory_space<hbm>>) target_semaphore(%run_scoped3A : memref<!tpu.dma_semaphore, #tpu.memory_space<semaphore_mem>>)
      %dma_wait3A_11 = arith.constant 0 : i32
      %dma_wait3A_12 = tpu.memref_slice %arg4[%mul3A_2, %dma_wait3A_11] : memref<256x128xf32, #tpu.memory_space<hbm>> -> memref<16x128xf32, #tpu.memory_space<hbm>>
      %dma_wait3A_13 = arith.constant 0 : i32
      %dma_wait3A_14 = tpu.memref_slice %arg4[%mul3A_2, %dma_wait3A_13] : memref<256x128xf32, #tpu.memory_space<hbm>> -> memref<16x128xf32, #tpu.memory_space<hbm>>
      tpu.wait_dma2 semaphore(%run_scoped3A : memref<!tpu.dma_semaphore, #tpu.memory_space<semaphore_mem>>) src(%arg6 : memref<16x128xf32, #tpu.memory_space<vmem>>) dst(%dma_wait3A_14 : memref<16x128xf32, #tpu.memory_space<hbm>>)
      tpu.yield
    }) : () -> ()
    return
  }
}

module attributes {stable_mosaic.version = 14 : i64} {
  func.func @_dist_body(%arg0: i32, %arg1: memref<1x2048x128xf32, #tpu.memory_space<vmem>>, %arg2: memref<1x64x128xf32, #tpu.memory_space<vmem>>, %arg3: memref<1x1x64xf32, #tpu.memory_space<vmem>>, %arg4: memref<1x2048x64xf32, #tpu.memory_space<vmem>>, %arg5: memref<1x2048x1xi32, #tpu.memory_space<vmem>>) attributes {dimension_semantics = [#tpu.dimension_semantics<arbitrary>], iteration_bounds = array<i64: 4>, scalar_prefetch = 0 : i64, scratch_operands = 0 : i64, tpu.core_type = #tpu.core_type<tc>, window_params = [{transform_indices = @transform_0, window_bounds = array<i64: 1, 2048, 128>}, {transform_indices = @transform_1, window_bounds = array<i64: 1, 64, 128>}, {transform_indices = @transform_2, window_bounds = array<i64: 1, 1, 64>}, {transform_indices = @transform_3, window_bounds = array<i64: 1, 2048, 64>}, {transform_indices = @transform_4, window_bounds = array<i64: 1, 2048, 1>}]} {
    %get3A = arith.constant 0 : index
    %get3A_0 = arith.constant 0 : index
    %get3A_1 = arith.constant 0 : index
    %get3A_2 = vector.load %arg1[%get3A, %get3A_0, %get3A_1] : memref<1x2048x128xf32, #tpu.memory_space<vmem>>, vector<1x2048x128xf32>
    %get3A_3 = vector.shape_cast %get3A_2 : vector<1x2048x128xf32> to vector<2048x128xf32>
    %get3A_4 = arith.constant 0 : index
    %get3A_5 = arith.constant 0 : index
    %get3A_6 = arith.constant 0 : index
    %get3A_7 = vector.load %arg2[%get3A_4, %get3A_5, %get3A_6] : memref<1x64x128xf32, #tpu.memory_space<vmem>>, vector<1x64x128xf32>
    %get3A_8 = vector.shape_cast %get3A_7 : vector<1x64x128xf32> to vector<64x128xf32>
    %get3A_9 = arith.constant 0 : index
    %get3A_10 = arith.constant 0 : index
    %get3A_11 = arith.constant 0 : index
    %get3A_12 = vector.load %arg3[%get3A_9, %get3A_10, %get3A_11] : memref<1x1x64xf32, #tpu.memory_space<vmem>>, vector<1x1x64xf32>
    %get3A_13 = vector.shape_cast %get3A_12 : vector<1x1x64xf32> to vector<1x64xf32>
    %mul3A = arith.mulf %get3A_3, %get3A_3 : vector<2048x128xf32>
    %reduce_sum3A = arith.constant dense<0.000000e+00> : vector<2048xf32>
    %reduce_sum3A_14 = vector.multi_reduction <add>, %mul3A, %reduce_sum3A [1] : vector<2048x128xf32> to vector<2048xf32>
    %broadcast_in_dim3A = vector.shape_cast %reduce_sum3A_14 : vector<2048xf32> to vector<2048x1xf32>
    %mul3A_15 = arith.mulf %get3A_8, %get3A_8 : vector<64x128xf32>
    %reduce_sum3A_16 = arith.constant dense<0.000000e+00> : vector<64xf32>
    %reduce_sum3A_17 = vector.multi_reduction <add>, %mul3A_15, %reduce_sum3A_16 [1] : vector<64x128xf32> to vector<64xf32>
    %broadcast_in_dim3A_18 = vector.shape_cast %reduce_sum3A_17 : vector<64xf32> to vector<1x64xf32>
    %dot_general3A = arith.constant dense<0.000000e+00> : vector<2048x64xf32>
    %dot_general3A_19 = tpu.matmul %get3A_3, %get3A_8, %dot_general3A {dimension_numbers = #tpu.dot_dimension_numbers<[1], [1], [0], [0], [0, 0, 1, 0], [], []>, precision = #tpu.contract_precision<fp32>, transpose_lhs_hint = false} : vector<2048x128xf32>, vector<64x128xf32>, vector<2048x64xf32> -> vector<2048x64xf32>
    %add3A = vector.broadcast %broadcast_in_dim3A : vector<2048x1xf32> to vector<2048x64xf32>
    %add3A_20 = vector.broadcast %broadcast_in_dim3A_18 : vector<1x64xf32> to vector<2048x64xf32>
    %add3A_21 = arith.addf %add3A, %add3A_20 : vector<2048x64xf32>
    %mul3A_22 = arith.constant 2.000000e+00 : f32
    %mul3A_23 = vector.broadcast %mul3A_22 : f32 to vector<2048x64xf32>
    %mul3A_24 = arith.mulf %mul3A_23, %dot_general3A_19 : vector<2048x64xf32>
    %sub3A = arith.subf %add3A_21, %mul3A_24 : vector<2048x64xf32>
    %max3A = arith.constant 0.000000e+00 : f32
    %max3A_25 = vector.broadcast %max3A : f32 to vector<2048x64xf32>
    %max3A_26 = arith.maximumf %sub3A, %max3A_25 : vector<2048x64xf32>
    %sqrt3A = math.sqrt %max3A_26 : vector<2048x64xf32>
    %swap3A = arith.constant 0 : index
    %swap3A_27 = arith.constant 0 : index
    %swap3A_28 = arith.constant 0 : index
    %swap3A_29 = vector.load %arg4[%swap3A, %swap3A_27, %swap3A_28] : memref<1x2048x64xf32, #tpu.memory_space<vmem>>, vector<1x2048x64xf32>
    %swap3A_30 = vector.shape_cast %swap3A_29 : vector<1x2048x64xf32> to vector<2048x64xf32>
    %swap3A_31 = vector.shape_cast %sqrt3A : vector<2048x64xf32> to vector<1x2048x64xf32>
    tpu.vector_store %arg4[%swap3A, %swap3A_27, %swap3A_28], %swap3A_31 {strides = array<i32>} : memref<1x2048x64xf32, #tpu.memory_space<vmem>>, vector<1x2048x64xf32>,
    %iota3A = tpu.iota {dimensions = array<i32: 1>} : vector<2048x64xi32>
    %convert_element_type3A = arith.sitofp %iota3A : vector<2048x64xi32> to vector<2048x64xf32>
    %eq3A = arith.constant 1.000000e+00 : f32
    %eq3A_32 = vector.broadcast %eq3A : f32 to vector<1x64xf32>
    %eq3A_33 = arith.cmpf oeq, %get3A_13, %eq3A_32 : vector<1x64xf32>
    %jit3A = arith.constant 3.000000e+38 : f32
    %broadcast_in_dim3A_34 = vector.shape_cast %eq3A_33 : vector<1x64xi1> to vector<1x64xi1>
    %broadcast_in_dim3A_35 = vector.broadcast %broadcast_in_dim3A_34 : vector<1x64xi1> to vector<2048x64xi1>
    %broadcast_in_dim3A_36 = vector.broadcast %jit3A : f32 to vector<2048x64xf32>
    %select_n3A = arith.select %broadcast_in_dim3A_35, %broadcast_in_dim3A_36, %sqrt3A : vector<2048x64xi1>, vector<2048x64xf32>
    %reduce_min3A = arith.constant dense<0x7F800000> : vector<2048xf32>
    %reduce_min3A_37 = vector.multi_reduction <minimumf>, %select_n3A, %reduce_min3A [1] : vector<2048x64xf32> to vector<2048xf32>
    %broadcast_in_dim3A_38 = vector.shape_cast %reduce_min3A_37 : vector<2048xf32> to vector<2048x1xf32>
    %eq3A_39 = vector.broadcast %broadcast_in_dim3A_38 : vector<2048x1xf32> to vector<2048x64xf32>
    %eq3A_40 = arith.cmpf oeq, %select_n3A, %eq3A_39 : vector<2048x64xf32>
    %jit3A_41 = arith.constant 6.400000e+01 : f32
    %broadcast_in_dim3A_42 = vector.broadcast %jit3A_41 : f32 to vector<2048x64xf32>
    %select_n3A_43 = arith.select %eq3A_40, %convert_element_type3A, %broadcast_in_dim3A_42 : vector<2048x64xi1>, vector<2048x64xf32>
    %reduce_min3A_44 = arith.constant dense<0x7F800000> : vector<2048xf32>
    %reduce_min3A_45 = vector.multi_reduction <minimumf>, %select_n3A_43, %reduce_min3A_44 [1] : vector<2048x64xf32> to vector<2048xf32>
    %broadcast_in_dim3A_46 = vector.shape_cast %reduce_min3A_45 : vector<2048xf32> to vector<2048x1xf32>
    %eq3A_47 = vector.broadcast %broadcast_in_dim3A_46 : vector<2048x1xf32> to vector<2048x64xf32>
    %eq3A_48 = arith.cmpf oeq, %convert_element_type3A, %eq3A_47 : vector<2048x64xf32>
    %jit3A_49 = arith.constant 3.000000e+38 : f32
    %broadcast_in_dim3A_50 = vector.broadcast %jit3A_49 : f32 to vector<2048x64xf32>
    %select_n3A_51 = arith.select %eq3A_48, %broadcast_in_dim3A_50, %select_n3A : vector<2048x64xi1>, vector<2048x64xf32>
    %reduce_min3A_52 = arith.constant dense<0x7F800000> : vector<2048xf32>
    %reduce_min3A_53 = vector.multi_reduction <minimumf>, %select_n3A_51, %reduce_min3A_52 [1] : vector<2048x64xf32> to vector<2048xf32>
    %broadcast_in_dim3A_54 = vector.shape_cast %reduce_min3A_53 : vector<2048xf32> to vector<2048x1xf32>
    %eq3A_55 = vector.broadcast %broadcast_in_dim3A_54 : vector<2048x1xf32> to vector<2048x64xf32>
    %eq3A_56 = arith.cmpf oeq, %select_n3A_51, %eq3A_55 : vector<2048x64xf32>
    %jit3A_57 = arith.constant 6.400000e+01 : f32
    %broadcast_in_dim3A_58 = vector.broadcast %jit3A_57 : f32 to vector<2048x64xf32>
    %select_n3A_59 = arith.select %eq3A_56, %convert_element_type3A, %broadcast_in_dim3A_58 : vector<2048x64xi1>, vector<2048x64xf32>
    %reduce_min3A_60 = arith.constant dense<0x7F800000> : vector<2048xf32>
    %reduce_min3A_61 = vector.multi_reduction <minimumf>, %select_n3A_59, %reduce_min3A_60 [1] : vector<2048x64xf32> to vector<2048xf32>
    %broadcast_in_dim3A_62 = vector.shape_cast %reduce_min3A_61 : vector<2048xf32> to vector<2048x1xf32>
    %eq3A_63 = vector.broadcast %broadcast_in_dim3A_62 : vector<2048x1xf32> to vector<2048x64xf32>
    %eq3A_64 = arith.cmpf oeq, %convert_element_type3A, %eq3A_63 : vector<2048x64xf32>
    %convert_element_type3A_65 = arith.truncf %get3A_8 : vector<64x128xf32> to vector<64x128xbf16>
    %convert_element_type3A_66 = arith.extf %convert_element_type3A_65 : vector<64x128xbf16> to vector<64x128xf32>
    %sub3A_67 = arith.subf %get3A_8, %convert_element_type3A_66 : vector<64x128xf32>
    %convert_element_type3A_68 = arith.truncf %sub3A_67 : vector<64x128xf32> to vector<64x128xbf16>
    %convert_element_type3A_69 = arith.extf %convert_element_type3A_68 : vector<64x128xbf16> to vector<64x128xf32>
    %sub3A_70 = arith.subf %sub3A_67, %convert_element_type3A_69 : vector<64x128xf32>
    %convert_element_type3A_71 = arith.truncf %sub3A_70 : vector<64x128xf32> to vector<64x128xbf16>
    %convert_element_type3A_72 = arith.fptosi %broadcast_in_dim3A_46 : vector<2048x1xf32> to vector<2048x1xi32>
    %swap3A_73 = arith.constant 0 : index
    %swap3A_74 = arith.constant 0 : index
    %swap3A_75 = arith.constant 0 : index
    %swap3A_76 = vector.load %arg5[%swap3A_73, %swap3A_74, %swap3A_75] : memref<1x2048x1xi32, #tpu.memory_space<vmem>>, vector<1x2048x1xi32>
    %swap3A_77 = vector.shape_cast %swap3A_76 : vector<1x2048x1xi32> to vector<2048x1xi32>
    %swap3A_78 = vector.shape_cast %convert_element_type3A_72 : vector<2048x1xi32> to vector<1x2048x1xi32>
    tpu.vector_store %arg5[%swap3A_73, %swap3A_74, %swap3A_75], %swap3A_78 {strides = array<i32>} : memref<1x2048x1xi32, #tpu.memory_space<vmem>>, vector<1x2048x1xi32>,
    %sub3A_79 = arith.subf %broadcast_in_dim3A_54, %broadcast_in_dim3A_38 : vector<2048x1xf32>
    %slice3A = vector.extract_strided_slice %sub3A_79 {offsets = [0, 0], sizes = [256, 1], strides = [1, 1]} : vector<2048x1xf32> to vector<256x1xf32>
    %reduce_min3A_80 = vector.shape_cast %slice3A : vector<256x1xf32> to vector<1x256x1xf32>
    %reduce_min3A_81 = arith.constant dense<0x7F800000> : vector<1xf32>
    %reduce_min3A_82 = vector.multi_reduction <minimumf>, %reduce_min3A_80, %reduce_min3A_81 [1, 2] : vector<1x256x1xf32> to vector<1xf32>
    %reduce_min3A_83 = vector.shape_cast %reduce_min3A_82 : vector<1xf32> to vector<1x1x1xf32>
    %reduce_min3A_84 = vector.extract %reduce_min3A_83[0, 0, 0] : f32 from vector<1x1x1xf32>
    %lt3A = arith.constant 9.99999974E-5 : f32
    %lt3A_85 = arith.cmpf olt, %reduce_min3A_84, %lt3A : f32
    %convert_element_type3A_86 = arith.extui %lt3A_85 : i1 to i32
    %cond3A = arith.constant 0 : i32
    %cond3A_87 = arith.constant 0 : i32
    %cond3A_88 = arith.cmpi ne, %convert_element_type3A_86, %cond3A_87 : i32
    scf.if %cond3A_88 {
      %slice3A_173 = vector.extract_strided_slice %get3A_3 {offsets = [0, 0], sizes = [256, 128], strides = [1, 1]} : vector<2048x128xf32> to vector<256x128xf32>
      %slice3A_174 = vector.extract_strided_slice %eq3A_48 {offsets = [0, 0], sizes = [256, 64], strides = [1, 1]} : vector<2048x64xi1> to vector<256x64xi1>
      %convert_element_type3A_175 = arith.extui %slice3A_174 : vector<256x64xi1> to vector<256x64xi32>
      %convert_element_type3A_176 = arith.sitofp %convert_element_type3A_175 : vector<256x64xi32> to vector<256x64xf32>
      %convert_element_type3A_177 = arith.truncf %convert_element_type3A_176 : vector<256x64xf32> to vector<256x64xbf16>
      %dot_general3A_178 = arith.constant dense<0.000000e+00> : vector<256x128xf32>
      %dot_general3A_179 = tpu.matmul %convert_element_type3A_177, %convert_element_type3A_65, %dot_general3A_178 {dimension_numbers = #tpu.dot_dimension_numbers<[1], [0], [0], [1], [0, 0, 1, 1], [], []>, transpose_lhs_hint = false} : vector<256x64xbf16>, vector<64x128xbf16>, vector<256x128xf32> -> vector<256x128xf32>
      %dot_general3A_180 = arith.constant dense<0.000000e+00> : vector<256x128xf32>
      %dot_general3A_181 = tpu.matmul %convert_element_type3A_177, %convert_element_type3A_68, %dot_general3A_180 {dimension_numbers = #tpu.dot_dimension_numbers<[1], [0], [0], [1], [0, 0, 1, 1], [], []>, transpose_lhs_hint = false} : vector<256x64xbf16>, vector<64x128xbf16>, vector<256x128xf32> -> vector<256x128xf32>
      %add3A_182 = arith.addf %dot_general3A_179, %dot_general3A_181 : vector<256x128xf32>
      %dot_general3A_183 = arith.constant dense<0.000000e+00> : vector<256x128xf32>
      %dot_general3A_184 = tpu.matmul %convert_element_type3A_177, %convert_element_type3A_71, %dot_general3A_183 {dimension_numbers = #tpu.dot_dimension_numbers<[1], [0], [0], [1], [0, 0, 1, 1], [], []>, transpose_lhs_hint = false} : vector<256x64xbf16>, vector<64x128xbf16>, vector<256x128xf32> -> vector<256x128xf32>
      %add3A_185 = arith.addf %add3A_182, %dot_general3A_184 : vector<256x128xf32>
      %sub3A_186 = arith.subf %slice3A_173, %add3A_185 : vector<256x128xf32>
      %slice3A_187 = vector.extract_strided_slice %eq3A_64 {offsets = [0, 0], sizes = [256, 64], strides = [1, 1]} : vector<2048x64xi1> to vector<256x64xi1>
      %convert_element_type3A_188 = arith.extui %slice3A_187 : vector<256x64xi1> to vector<256x64xi32>
      %convert_element_type3A_189 = arith.sitofp %convert_element_type3A_188 : vector<256x64xi32> to vector<256x64xf32>
      %convert_element_type3A_190 = arith.truncf %convert_element_type3A_189 : vector<256x64xf32> to vector<256x64xbf16>
      %dot_general3A_191 = arith.constant dense<0.000000e+00> : vector<256x128xf32>
      %dot_general3A_192 = tpu.matmul %convert_element_type3A_190, %convert_element_type3A_65, %dot_general3A_191 {dimension_numbers = #tpu.dot_dimension_numbers<[1], [0], [0], [1], [0, 0, 1, 1], [], []>, transpose_lhs_hint = false} : vector<256x64xbf16>, vector<64x128xbf16>, vector<256x128xf32> -> vector<256x128xf32>
      %dot_general3A_193 = arith.constant dense<0.000000e+00> : vector<256x128xf32>
      %dot_general3A_194 = tpu.matmul %convert_element_type3A_190, %convert_element_type3A_68, %dot_general3A_193 {dimension_numbers = #tpu.dot_dimension_numbers<[1], [0], [0], [1], [0, 0, 1, 1], [], []>, transpose_lhs_hint = false} : vector<256x64xbf16>, vector<64x128xbf16>, vector<256x128xf32> -> vector<256x128xf32>
      %add3A_195 = arith.addf %dot_general3A_192, %dot_general3A_194 : vector<256x128xf32>
      %dot_general3A_196 = arith.constant dense<0.000000e+00> : vector<256x128xf32>
      %dot_general3A_197 = tpu.matmul %convert_element_type3A_190, %convert_element_type3A_71, %dot_general3A_196 {dimension_numbers = #tpu.dot_dimension_numbers<[1], [0], [0], [1], [0, 0, 1, 1], [], []>, transpose_lhs_hint = false} : vector<256x64xbf16>, vector<64x128xbf16>, vector<256x128xf32> -> vector<256x128xf32>
      %add3A_198 = arith.addf %add3A_195, %dot_general3A_197 : vector<256x128xf32>
      %sub3A_199 = arith.subf %slice3A_173, %add3A_198 : vector<256x128xf32>
      %mul3A_200 = arith.mulf %sub3A_186, %sub3A_186 : vector<256x128xf32>
      %reduce_sum3A_201 = arith.constant dense<0.000000e+00> : vector<256xf32>
      %reduce_sum3A_202 = vector.multi_reduction <add>, %mul3A_200, %reduce_sum3A_201 [1] : vector<256x128xf32> to vector<256xf32>
      %broadcast_in_dim3A_203 = vector.shape_cast %reduce_sum3A_202 : vector<256xf32> to vector<256x1xf32>
      %sqrt3A_204 = math.sqrt %broadcast_in_dim3A_203 : vector<256x1xf32>
      %mul3A_205 = arith.mulf %sub3A_199, %sub3A_199 : vector<256x128xf32>
      %reduce_sum3A_206 = arith.constant dense<0.000000e+00> : vector<256xf32>
      %reduce_sum3A_207 = vector.multi_reduction <add>, %mul3A_205, %reduce_sum3A_206 [1] : vector<256x128xf32> to vector<256xf32>
      %broadcast_in_dim3A_208 = vector.shape_cast %reduce_sum3A_207 : vector<256xf32> to vector<256x1xf32>
      %sqrt3A_209 = math.sqrt %broadcast_in_dim3A_208 : vector<256x1xf32>
      %slice3A_210 = vector.extract_strided_slice %broadcast_in_dim3A_46 {offsets = [0, 0], sizes = [256, 1], strides = [1, 1]} : vector<2048x1xf32> to vector<256x1xf32>
      %slice3A_211 = vector.extract_strided_slice %broadcast_in_dim3A_62 {offsets = [0, 0], sizes = [256, 1], strides = [1, 1]} : vector<2048x1xf32> to vector<256x1xf32>
      %lt3A_212 = arith.cmpf olt, %sqrt3A_209, %sqrt3A_204 : vector<256x1xf32>
      %select_n3A_213 = arith.select %lt3A_212, %slice3A_211, %slice3A_210 : vector<256x1xi1>, vector<256x1xf32>
      %eq3A_214 = arith.cmpf oeq, %sqrt3A_204, %sqrt3A_209 : vector<256x1xf32>
      %min3A = arith.minimumf %slice3A_210, %slice3A_211 : vector<256x1xf32>
      %select_n3A_215 = arith.select %eq3A_214, %min3A, %select_n3A_213 : vector<256x1xi1>, vector<256x1xf32>
      %convert_element_type3A_216 = arith.fptosi %select_n3A_215 : vector<256x1xf32> to vector<256x1xi32>
      %swap3A_217 = arith.constant 0 : i32
      %swap3A_218 = arith.constant 0 : i32
      %swap3A_219 = tpu.memref_slice %arg5[%cond3A, %swap3A_217, %swap3A_218] : memref<1x2048x1xi32, #tpu.memory_space<vmem>> -> memref<1x2048x1xi32, #tpu.memory_space<vmem>>
      %swap3A_220 = tpu.memref_squeeze %swap3A_219 : memref<1x2048x1xi32, #tpu.memory_space<vmem>> -> memref<2048x1xi32, #tpu.memory_space<vmem>>
      %swap3A_221 = arith.constant 0 : index
      %swap3A_222 = arith.constant 0 : index
      %swap3A_223 = vector.load %swap3A_220[%swap3A_221, %swap3A_222] : memref<2048x1xi32, #tpu.memory_space<vmem>>, vector<256x1xi32>
      tpu.vector_store %swap3A_220[%swap3A_221, %swap3A_222], %convert_element_type3A_216 {strides = array<i32>} : memref<2048x1xi32, #tpu.memory_space<vmem>>, vector<256x1xi32>,
    } else {
    }
    %slice3A_89 = vector.extract_strided_slice %sub3A_79 {offsets = [256, 0], sizes = [256, 1], strides = [1, 1]} : vector<2048x1xf32> to vector<256x1xf32>
    %reduce_min3A_90 = vector.shape_cast %slice3A_89 : vector<256x1xf32> to vector<1x256x1xf32>
    %reduce_min3A_91 = arith.constant dense<0x7F800000> : vector<1xf32>
    %reduce_min3A_92 = vector.multi_reduction <minimumf>, %reduce_min3A_90, %reduce_min3A_91 [1, 2] : vector<1x256x1xf32> to vector<1xf32>
    %reduce_min3A_93 = vector.shape_cast %reduce_min3A_92 : vector<1xf32> to vector<1x1x1xf32>
    %reduce_min3A_94 = vector.extract %reduce_min3A_93[0, 0, 0] : f32 from vector<1x1x1xf32>
    %lt3A_95 = arith.constant 9.99999974E-5 : f32
    %lt3A_96 = arith.cmpf olt, %reduce_min3A_94, %lt3A_95 : f32
    %convert_element_type3A_97 = arith.extui %lt3A_96 : i1 to i32
    %cond3A_98 = arith.constant 0 : i32
    %cond3A_99 = arith.constant 0 : i32
    %cond3A_100 = arith.cmpi ne, %convert_element_type3A_97, %cond3A_99 : i32
    scf.if %cond3A_100 {
      %slice3A_173 = vector.extract_strided_slice %get3A_3 {offsets = [256, 0], sizes = [256, 128], strides = [1, 1]} : vector<2048x128xf32> to vector<256x128xf32>
      %slice3A_174 = vector.extract_strided_slice %eq3A_48 {offsets = [256, 0], sizes = [256, 64], strides = [1, 1]} : vector<2048x64xi1> to vector<256x64xi1>
      %convert_element_type3A_175 = arith.extui %slice3A_174 : vector<256x64xi1> to vector<256x64xi32>
      %convert_element_type3A_176 = arith.sitofp %convert_element_type3A_175 : vector<256x64xi32> to vector<256x64xf32>
      %convert_element_type3A_177 = arith.truncf %convert_element_type3A_176 : vector<256x64xf32> to vector<256x64xbf16>
      %dot_general3A_178 = arith.constant dense<0.000000e+00> : vector<256x128xf32>
      %dot_general3A_179 = tpu.matmul %convert_element_type3A_177, %convert_element_type3A_65, %dot_general3A_178 {dimension_numbers = #tpu.dot_dimension_numbers<[1], [0], [0], [1], [0, 0, 1, 1], [], []>, transpose_lhs_hint = false} : vector<256x64xbf16>, vector<64x128xbf16>, vector<256x128xf32> -> vector<256x128xf32>
      %dot_general3A_180 = arith.constant dense<0.000000e+00> : vector<256x128xf32>
      %dot_general3A_181 = tpu.matmul %convert_element_type3A_177, %convert_element_type3A_68, %dot_general3A_180 {dimension_numbers = #tpu.dot_dimension_numbers<[1], [0], [0], [1], [0, 0, 1, 1], [], []>, transpose_lhs_hint = false} : vector<256x64xbf16>, vector<64x128xbf16>, vector<256x128xf32> -> vector<256x128xf32>
      %add3A_182 = arith.addf %dot_general3A_179, %dot_general3A_181 : vector<256x128xf32>
      %dot_general3A_183 = arith.constant dense<0.000000e+00> : vector<256x128xf32>
      %dot_general3A_184 = tpu.matmul %convert_element_type3A_177, %convert_element_type3A_71, %dot_general3A_183 {dimension_numbers = #tpu.dot_dimension_numbers<[1], [0], [0], [1], [0, 0, 1, 1], [], []>, transpose_lhs_hint = false} : vector<256x64xbf16>, vector<64x128xbf16>, vector<256x128xf32> -> vector<256x128xf32>
      %add3A_185 = arith.addf %add3A_182, %dot_general3A_184 : vector<256x128xf32>
      %sub3A_186 = arith.subf %slice3A_173, %add3A_185 : vector<256x128xf32>
      %slice3A_187 = vector.extract_strided_slice %eq3A_64 {offsets = [256, 0], sizes = [256, 64], strides = [1, 1]} : vector<2048x64xi1> to vector<256x64xi1>
      %convert_element_type3A_188 = arith.extui %slice3A_187 : vector<256x64xi1> to vector<256x64xi32>
      %convert_element_type3A_189 = arith.sitofp %convert_element_type3A_188 : vector<256x64xi32> to vector<256x64xf32>
      %convert_element_type3A_190 = arith.truncf %convert_element_type3A_189 : vector<256x64xf32> to vector<256x64xbf16>
      %dot_general3A_191 = arith.constant dense<0.000000e+00> : vector<256x128xf32>
      %dot_general3A_192 = tpu.matmul %convert_element_type3A_190, %convert_element_type3A_65, %dot_general3A_191 {dimension_numbers = #tpu.dot_dimension_numbers<[1], [0], [0], [1], [0, 0, 1, 1], [], []>, transpose_lhs_hint = false} : vector<256x64xbf16>, vector<64x128xbf16>, vector<256x128xf32> -> vector<256x128xf32>
      %dot_general3A_193 = arith.constant dense<0.000000e+00> : vector<256x128xf32>
      %dot_general3A_194 = tpu.matmul %convert_element_type3A_190, %convert_element_type3A_68, %dot_general3A_193 {dimension_numbers = #tpu.dot_dimension_numbers<[1], [0], [0], [1], [0, 0, 1, 1], [], []>, transpose_lhs_hint = false} : vector<256x64xbf16>, vector<64x128xbf16>, vector<256x128xf32> -> vector<256x128xf32>
      %add3A_195 = arith.addf %dot_general3A_192, %dot_general3A_194 : vector<256x128xf32>
      %dot_general3A_196 = arith.constant dense<0.000000e+00> : vector<256x128xf32>
      %dot_general3A_197 = tpu.matmul %convert_element_type3A_190, %convert_element_type3A_71, %dot_general3A_196 {dimension_numbers = #tpu.dot_dimension_numbers<[1], [0], [0], [1], [0, 0, 1, 1], [], []>, transpose_lhs_hint = false} : vector<256x64xbf16>, vector<64x128xbf16>, vector<256x128xf32> -> vector<256x128xf32>
      %add3A_198 = arith.addf %add3A_195, %dot_general3A_197 : vector<256x128xf32>
      %sub3A_199 = arith.subf %slice3A_173, %add3A_198 : vector<256x128xf32>
      %mul3A_200 = arith.mulf %sub3A_186, %sub3A_186 : vector<256x128xf32>
      %reduce_sum3A_201 = arith.constant dense<0.000000e+00> : vector<256xf32>
      %reduce_sum3A_202 = vector.multi_reduction <add>, %mul3A_200, %reduce_sum3A_201 [1] : vector<256x128xf32> to vector<256xf32>
      %broadcast_in_dim3A_203 = vector.shape_cast %reduce_sum3A_202 : vector<256xf32> to vector<256x1xf32>
      %sqrt3A_204 = math.sqrt %broadcast_in_dim3A_203 : vector<256x1xf32>
      %mul3A_205 = arith.mulf %sub3A_199, %sub3A_199 : vector<256x128xf32>
      %reduce_sum3A_206 = arith.constant dense<0.000000e+00> : vector<256xf32>
      %reduce_sum3A_207 = vector.multi_reduction <add>, %mul3A_205, %reduce_sum3A_206 [1] : vector<256x128xf32> to vector<256xf32>
      %broadcast_in_dim3A_208 = vector.shape_cast %reduce_sum3A_207 : vector<256xf32> to vector<256x1xf32>
      %sqrt3A_209 = math.sqrt %broadcast_in_dim3A_208 : vector<256x1xf32>
      %slice3A_210 = vector.extract_strided_slice %broadcast_in_dim3A_46 {offsets = [256, 0], sizes = [256, 1], strides = [1, 1]} : vector<2048x1xf32> to vector<256x1xf32>
      %slice3A_211 = vector.extract_strided_slice %broadcast_in_dim3A_62 {offsets = [256, 0], sizes = [256, 1], strides = [1, 1]} : vector<2048x1xf32> to vector<256x1xf32>
      %lt3A_212 = arith.cmpf olt, %sqrt3A_209, %sqrt3A_204 : vector<256x1xf32>
      %select_n3A_213 = arith.select %lt3A_212, %slice3A_211, %slice3A_210 : vector<256x1xi1>, vector<256x1xf32>
      %eq3A_214 = arith.cmpf oeq, %sqrt3A_204, %sqrt3A_209 : vector<256x1xf32>
      %min3A = arith.minimumf %slice3A_210, %slice3A_211 : vector<256x1xf32>
      %select_n3A_215 = arith.select %eq3A_214, %min3A, %select_n3A_213 : vector<256x1xi1>, vector<256x1xf32>
      %convert_element_type3A_216 = arith.fptosi %select_n3A_215 : vector<256x1xf32> to vector<256x1xi32>
      %swap3A_217 = arith.constant 0 : i32
      %swap3A_218 = arith.constant 0 : i32
      %swap3A_219 = tpu.memref_slice %arg5[%cond3A_98, %swap3A_217, %swap3A_218] : memref<1x2048x1xi32, #tpu.memory_space<vmem>> -> memref<1x2048x1xi32, #tpu.memory_space<vmem>>
      %swap3A_220 = tpu.memref_squeeze %swap3A_219 : memref<1x2048x1xi32, #tpu.memory_space<vmem>> -> memref<2048x1xi32, #tpu.memory_space<vmem>>
      %swap3A_221 = arith.constant 256 : index
      %swap3A_222 = arith.constant 0 : index
      %swap3A_223 = vector.load %swap3A_220[%swap3A_221, %swap3A_222] : memref<2048x1xi32, #tpu.memory_space<vmem>>, vector<256x1xi32>
      tpu.vector_store %swap3A_220[%swap3A_221, %swap3A_222], %convert_element_type3A_216 {strides = array<i32>} : memref<2048x1xi32, #tpu.memory_space<vmem>>, vector<256x1xi32>,
    } else {
    }
    %slice3A_101 = vector.extract_strided_slice %sub3A_79 {offsets = [512, 0], sizes = [256, 1], strides = [1, 1]} : vector<2048x1xf32> to vector<256x1xf32>
    %reduce_min3A_102 = vector.shape_cast %slice3A_101 : vector<256x1xf32> to vector<1x256x1xf32>
    %reduce_min3A_103 = arith.constant dense<0x7F800000> : vector<1xf32>
    %reduce_min3A_104 = vector.multi_reduction <minimumf>, %reduce_min3A_102, %reduce_min3A_103 [1, 2] : vector<1x256x1xf32> to vector<1xf32>
    %reduce_min3A_105 = vector.shape_cast %reduce_min3A_104 : vector<1xf32> to vector<1x1x1xf32>
    %reduce_min3A_106 = vector.extract %reduce_min3A_105[0, 0, 0] : f32 from vector<1x1x1xf32>
    %lt3A_107 = arith.constant 9.99999974E-5 : f32
    %lt3A_108 = arith.cmpf olt, %reduce_min3A_106, %lt3A_107 : f32
    %convert_element_type3A_109 = arith.extui %lt3A_108 : i1 to i32
    %cond3A_110 = arith.constant 0 : i32
    %cond3A_111 = arith.constant 0 : i32
    %cond3A_112 = arith.cmpi ne, %convert_element_type3A_109, %cond3A_111 : i32
    scf.if %cond3A_112 {
      %slice3A_173 = vector.extract_strided_slice %get3A_3 {offsets = [512, 0], sizes = [256, 128], strides = [1, 1]} : vector<2048x128xf32> to vector<256x128xf32>
      %slice3A_174 = vector.extract_strided_slice %eq3A_48 {offsets = [512, 0], sizes = [256, 64], strides = [1, 1]} : vector<2048x64xi1> to vector<256x64xi1>
      %convert_element_type3A_175 = arith.extui %slice3A_174 : vector<256x64xi1> to vector<256x64xi32>
      %convert_element_type3A_176 = arith.sitofp %convert_element_type3A_175 : vector<256x64xi32> to vector<256x64xf32>
      %convert_element_type3A_177 = arith.truncf %convert_element_type3A_176 : vector<256x64xf32> to vector<256x64xbf16>
      %dot_general3A_178 = arith.constant dense<0.000000e+00> : vector<256x128xf32>
      %dot_general3A_179 = tpu.matmul %convert_element_type3A_177, %convert_element_type3A_65, %dot_general3A_178 {dimension_numbers = #tpu.dot_dimension_numbers<[1], [0], [0], [1], [0, 0, 1, 1], [], []>, transpose_lhs_hint = false} : vector<256x64xbf16>, vector<64x128xbf16>, vector<256x128xf32> -> vector<256x128xf32>
      %dot_general3A_180 = arith.constant dense<0.000000e+00> : vector<256x128xf32>
      %dot_general3A_181 = tpu.matmul %convert_element_type3A_177, %convert_element_type3A_68, %dot_general3A_180 {dimension_numbers = #tpu.dot_dimension_numbers<[1], [0], [0], [1], [0, 0, 1, 1], [], []>, transpose_lhs_hint = false} : vector<256x64xbf16>, vector<64x128xbf16>, vector<256x128xf32> -> vector<256x128xf32>
      %add3A_182 = arith.addf %dot_general3A_179, %dot_general3A_181 : vector<256x128xf32>
      %dot_general3A_183 = arith.constant dense<0.000000e+00> : vector<256x128xf32>
      %dot_general3A_184 = tpu.matmul %convert_element_type3A_177, %convert_element_type3A_71, %dot_general3A_183 {dimension_numbers = #tpu.dot_dimension_numbers<[1], [0], [0], [1], [0, 0, 1, 1], [], []>, transpose_lhs_hint = false} : vector<256x64xbf16>, vector<64x128xbf16>, vector<256x128xf32> -> vector<256x128xf32>
      %add3A_185 = arith.addf %add3A_182, %dot_general3A_184 : vector<256x128xf32>
      %sub3A_186 = arith.subf %slice3A_173, %add3A_185 : vector<256x128xf32>
      %slice3A_187 = vector.extract_strided_slice %eq3A_64 {offsets = [512, 0], sizes = [256, 64], strides = [1, 1]} : vector<2048x64xi1> to vector<256x64xi1>
      %convert_element_type3A_188 = arith.extui %slice3A_187 : vector<256x64xi1> to vector<256x64xi32>
      %convert_element_type3A_189 = arith.sitofp %convert_element_type3A_188 : vector<256x64xi32> to vector<256x64xf32>
      %convert_element_type3A_190 = arith.truncf %convert_element_type3A_189 : vector<256x64xf32> to vector<256x64xbf16>
      %dot_general3A_191 = arith.constant dense<0.000000e+00> : vector<256x128xf32>
      %dot_general3A_192 = tpu.matmul %convert_element_type3A_190, %convert_element_type3A_65, %dot_general3A_191 {dimension_numbers = #tpu.dot_dimension_numbers<[1], [0], [0], [1], [0, 0, 1, 1], [], []>, transpose_lhs_hint = false} : vector<256x64xbf16>, vector<64x128xbf16>, vector<256x128xf32> -> vector<256x128xf32>
      %dot_general3A_193 = arith.constant dense<0.000000e+00> : vector<256x128xf32>
      %dot_general3A_194 = tpu.matmul %convert_element_type3A_190, %convert_element_type3A_68, %dot_general3A_193 {dimension_numbers = #tpu.dot_dimension_numbers<[1], [0], [0], [1], [0, 0, 1, 1], [], []>, transpose_lhs_hint = false} : vector<256x64xbf16>, vector<64x128xbf16>, vector<256x128xf32> -> vector<256x128xf32>
      %add3A_195 = arith.addf %dot_general3A_192, %dot_general3A_194 : vector<256x128xf32>
      %dot_general3A_196 = arith.constant dense<0.000000e+00> : vector<256x128xf32>
      %dot_general3A_197 = tpu.matmul %convert_element_type3A_190, %convert_element_type3A_71, %dot_general3A_196 {dimension_numbers = #tpu.dot_dimension_numbers<[1], [0], [0], [1], [0, 0, 1, 1], [], []>, transpose_lhs_hint = false} : vector<256x64xbf16>, vector<64x128xbf16>, vector<256x128xf32> -> vector<256x128xf32>
      %add3A_198 = arith.addf %add3A_195, %dot_general3A_197 : vector<256x128xf32>
      %sub3A_199 = arith.subf %slice3A_173, %add3A_198 : vector<256x128xf32>
      %mul3A_200 = arith.mulf %sub3A_186, %sub3A_186 : vector<256x128xf32>
      %reduce_sum3A_201 = arith.constant dense<0.000000e+00> : vector<256xf32>
      %reduce_sum3A_202 = vector.multi_reduction <add>, %mul3A_200, %reduce_sum3A_201 [1] : vector<256x128xf32> to vector<256xf32>
      %broadcast_in_dim3A_203 = vector.shape_cast %reduce_sum3A_202 : vector<256xf32> to vector<256x1xf32>
      %sqrt3A_204 = math.sqrt %broadcast_in_dim3A_203 : vector<256x1xf32>
      %mul3A_205 = arith.mulf %sub3A_199, %sub3A_199 : vector<256x128xf32>
      %reduce_sum3A_206 = arith.constant dense<0.000000e+00> : vector<256xf32>
      %reduce_sum3A_207 = vector.multi_reduction <add>, %mul3A_205, %reduce_sum3A_206 [1] : vector<256x128xf32> to vector<256xf32>
      %broadcast_in_dim3A_208 = vector.shape_cast %reduce_sum3A_207 : vector<256xf32> to vector<256x1xf32>
      %sqrt3A_209 = math.sqrt %broadcast_in_dim3A_208 : vector<256x1xf32>
      %slice3A_210 = vector.extract_strided_slice %broadcast_in_dim3A_46 {offsets = [512, 0], sizes = [256, 1], strides = [1, 1]} : vector<2048x1xf32> to vector<256x1xf32>
      %slice3A_211 = vector.extract_strided_slice %broadcast_in_dim3A_62 {offsets = [512, 0], sizes = [256, 1], strides = [1, 1]} : vector<2048x1xf32> to vector<256x1xf32>
      %lt3A_212 = arith.cmpf olt, %sqrt3A_209, %sqrt3A_204 : vector<256x1xf32>
      %select_n3A_213 = arith.select %lt3A_212, %slice3A_211, %slice3A_210 : vector<256x1xi1>, vector<256x1xf32>
      %eq3A_214 = arith.cmpf oeq, %sqrt3A_204, %sqrt3A_209 : vector<256x1xf32>
      %min3A = arith.minimumf %slice3A_210, %slice3A_211 : vector<256x1xf32>
      %select_n3A_215 = arith.select %eq3A_214, %min3A, %select_n3A_213 : vector<256x1xi1>, vector<256x1xf32>
      %convert_element_type3A_216 = arith.fptosi %select_n3A_215 : vector<256x1xf32> to vector<256x1xi32>
      %swap3A_217 = arith.constant 0 : i32
      %swap3A_218 = arith.constant 0 : i32
      %swap3A_219 = tpu.memref_slice %arg5[%cond3A_110, %swap3A_217, %swap3A_218] : memref<1x2048x1xi32, #tpu.memory_space<vmem>> -> memref<1x2048x1xi32, #tpu.memory_space<vmem>>
      %swap3A_220 = tpu.memref_squeeze %swap3A_219 : memref<1x2048x1xi32, #tpu.memory_space<vmem>> -> memref<2048x1xi32, #tpu.memory_space<vmem>>
      %swap3A_221 = arith.constant 512 : index
      %swap3A_222 = arith.constant 0 : index
      %swap3A_223 = vector.load %swap3A_220[%swap3A_221, %swap3A_222] : memref<2048x1xi32, #tpu.memory_space<vmem>>, vector<256x1xi32>
      tpu.vector_store %swap3A_220[%swap3A_221, %swap3A_222], %convert_element_type3A_216 {strides = array<i32>} : memref<2048x1xi32, #tpu.memory_space<vmem>>, vector<256x1xi32>,
    } else {
    }
    %slice3A_113 = vector.extract_strided_slice %sub3A_79 {offsets = [768, 0], sizes = [256, 1], strides = [1, 1]} : vector<2048x1xf32> to vector<256x1xf32>
    %reduce_min3A_114 = vector.shape_cast %slice3A_113 : vector<256x1xf32> to vector<1x256x1xf32>
    %reduce_min3A_115 = arith.constant dense<0x7F800000> : vector<1xf32>
    %reduce_min3A_116 = vector.multi_reduction <minimumf>, %reduce_min3A_114, %reduce_min3A_115 [1, 2] : vector<1x256x1xf32> to vector<1xf32>
    %reduce_min3A_117 = vector.shape_cast %reduce_min3A_116 : vector<1xf32> to vector<1x1x1xf32>
    %reduce_min3A_118 = vector.extract %reduce_min3A_117[0, 0, 0] : f32 from vector<1x1x1xf32>
    %lt3A_119 = arith.constant 9.99999974E-5 : f32
    %lt3A_120 = arith.cmpf olt, %reduce_min3A_118, %lt3A_119 : f32
    %convert_element_type3A_121 = arith.extui %lt3A_120 : i1 to i32
    %cond3A_122 = arith.constant 0 : i32
    %cond3A_123 = arith.constant 0 : i32
    %cond3A_124 = arith.cmpi ne, %convert_element_type3A_121, %cond3A_123 : i32
    scf.if %cond3A_124 {
      %slice3A_173 = vector.extract_strided_slice %get3A_3 {offsets = [768, 0], sizes = [256, 128], strides = [1, 1]} : vector<2048x128xf32> to vector<256x128xf32>
      %slice3A_174 = vector.extract_strided_slice %eq3A_48 {offsets = [768, 0], sizes = [256, 64], strides = [1, 1]} : vector<2048x64xi1> to vector<256x64xi1>
      %convert_element_type3A_175 = arith.extui %slice3A_174 : vector<256x64xi1> to vector<256x64xi32>
      %convert_element_type3A_176 = arith.sitofp %convert_element_type3A_175 : vector<256x64xi32> to vector<256x64xf32>
      %convert_element_type3A_177 = arith.truncf %convert_element_type3A_176 : vector<256x64xf32> to vector<256x64xbf16>
      %dot_general3A_178 = arith.constant dense<0.000000e+00> : vector<256x128xf32>
      %dot_general3A_179 = tpu.matmul %convert_element_type3A_177, %convert_element_type3A_65, %dot_general3A_178 {dimension_numbers = #tpu.dot_dimension_numbers<[1], [0], [0], [1], [0, 0, 1, 1], [], []>, transpose_lhs_hint = false} : vector<256x64xbf16>, vector<64x128xbf16>, vector<256x128xf32> -> vector<256x128xf32>
      %dot_general3A_180 = arith.constant dense<0.000000e+00> : vector<256x128xf32>
      %dot_general3A_181 = tpu.matmul %convert_element_type3A_177, %convert_element_type3A_68, %dot_general3A_180 {dimension_numbers = #tpu.dot_dimension_numbers<[1], [0], [0], [1], [0, 0, 1, 1], [], []>, transpose_lhs_hint = false} : vector<256x64xbf16>, vector<64x128xbf16>, vector<256x128xf32> -> vector<256x128xf32>
      %add3A_182 = arith.addf %dot_general3A_179, %dot_general3A_181 : vector<256x128xf32>
      %dot_general3A_183 = arith.constant dense<0.000000e+00> : vector<256x128xf32>
      %dot_general3A_184 = tpu.matmul %convert_element_type3A_177, %convert_element_type3A_71, %dot_general3A_183 {dimension_numbers = #tpu.dot_dimension_numbers<[1], [0], [0], [1], [0, 0, 1, 1], [], []>, transpose_lhs_hint = false} : vector<256x64xbf16>, vector<64x128xbf16>, vector<256x128xf32> -> vector<256x128xf32>
      %add3A_185 = arith.addf %add3A_182, %dot_general3A_184 : vector<256x128xf32>
      %sub3A_186 = arith.subf %slice3A_173, %add3A_185 : vector<256x128xf32>
      %slice3A_187 = vector.extract_strided_slice %eq3A_64 {offsets = [768, 0], sizes = [256, 64], strides = [1, 1]} : vector<2048x64xi1> to vector<256x64xi1>
      %convert_element_type3A_188 = arith.extui %slice3A_187 : vector<256x64xi1> to vector<256x64xi32>
      %convert_element_type3A_189 = arith.sitofp %convert_element_type3A_188 : vector<256x64xi32> to vector<256x64xf32>
      %convert_element_type3A_190 = arith.truncf %convert_element_type3A_189 : vector<256x64xf32> to vector<256x64xbf16>
      %dot_general3A_191 = arith.constant dense<0.000000e+00> : vector<256x128xf32>
      %dot_general3A_192 = tpu.matmul %convert_element_type3A_190, %convert_element_type3A_65, %dot_general3A_191 {dimension_numbers = #tpu.dot_dimension_numbers<[1], [0], [0], [1], [0, 0, 1, 1], [], []>, transpose_lhs_hint = false} : vector<256x64xbf16>, vector<64x128xbf16>, vector<256x128xf32> -> vector<256x128xf32>
      %dot_general3A_193 = arith.constant dense<0.000000e+00> : vector<256x128xf32>
      %dot_general3A_194 = tpu.matmul %convert_element_type3A_190, %convert_element_type3A_68, %dot_general3A_193 {dimension_numbers = #tpu.dot_dimension_numbers<[1], [0], [0], [1], [0, 0, 1, 1], [], []>, transpose_lhs_hint = false} : vector<256x64xbf16>, vector<64x128xbf16>, vector<256x128xf32> -> vector<256x128xf32>
      %add3A_195 = arith.addf %dot_general3A_192, %dot_general3A_194 : vector<256x128xf32>
      %dot_general3A_196 = arith.constant dense<0.000000e+00> : vector<256x128xf32>
      %dot_general3A_197 = tpu.matmul %convert_element_type3A_190, %convert_element_type3A_71, %dot_general3A_196 {dimension_numbers = #tpu.dot_dimension_numbers<[1], [0], [0], [1], [0, 0, 1, 1], [], []>, transpose_lhs_hint = false} : vector<256x64xbf16>, vector<64x128xbf16>, vector<256x128xf32> -> vector<256x128xf32>
      %add3A_198 = arith.addf %add3A_195, %dot_general3A_197 : vector<256x128xf32>
      %sub3A_199 = arith.subf %slice3A_173, %add3A_198 : vector<256x128xf32>
      %mul3A_200 = arith.mulf %sub3A_186, %sub3A_186 : vector<256x128xf32>
      %reduce_sum3A_201 = arith.constant dense<0.000000e+00> : vector<256xf32>
      %reduce_sum3A_202 = vector.multi_reduction <add>, %mul3A_200, %reduce_sum3A_201 [1] : vector<256x128xf32> to vector<256xf32>
      %broadcast_in_dim3A_203 = vector.shape_cast %reduce_sum3A_202 : vector<256xf32> to vector<256x1xf32>
      %sqrt3A_204 = math.sqrt %broadcast_in_dim3A_203 : vector<256x1xf32>
      %mul3A_205 = arith.mulf %sub3A_199, %sub3A_199 : vector<256x128xf32>
      %reduce_sum3A_206 = arith.constant dense<0.000000e+00> : vector<256xf32>
      %reduce_sum3A_207 = vector.multi_reduction <add>, %mul3A_205, %reduce_sum3A_206 [1] : vector<256x128xf32> to vector<256xf32>
      %broadcast_in_dim3A_208 = vector.shape_cast %reduce_sum3A_207 : vector<256xf32> to vector<256x1xf32>
      %sqrt3A_209 = math.sqrt %broadcast_in_dim3A_208 : vector<256x1xf32>
      %slice3A_210 = vector.extract_strided_slice %broadcast_in_dim3A_46 {offsets = [768, 0], sizes = [256, 1], strides = [1, 1]} : vector<2048x1xf32> to vector<256x1xf32>
      %slice3A_211 = vector.extract_strided_slice %broadcast_in_dim3A_62 {offsets = [768, 0], sizes = [256, 1], strides = [1, 1]} : vector<2048x1xf32> to vector<256x1xf32>
      %lt3A_212 = arith.cmpf olt, %sqrt3A_209, %sqrt3A_204 : vector<256x1xf32>
      %select_n3A_213 = arith.select %lt3A_212, %slice3A_211, %slice3A_210 : vector<256x1xi1>, vector<256x1xf32>
      %eq3A_214 = arith.cmpf oeq, %sqrt3A_204, %sqrt3A_209 : vector<256x1xf32>
      %min3A = arith.minimumf %slice3A_210, %slice3A_211 : vector<256x1xf32>
      %select_n3A_215 = arith.select %eq3A_214, %min3A, %select_n3A_213 : vector<256x1xi1>, vector<256x1xf32>
      %convert_element_type3A_216 = arith.fptosi %select_n3A_215 : vector<256x1xf32> to vector<256x1xi32>
      %swap3A_217 = arith.constant 0 : i32
      %swap3A_218 = arith.constant 0 : i32
      %swap3A_219 = tpu.memref_slice %arg5[%cond3A_122, %swap3A_217, %swap3A_218] : memref<1x2048x1xi32, #tpu.memory_space<vmem>> -> memref<1x2048x1xi32, #tpu.memory_space<vmem>>
      %swap3A_220 = tpu.memref_squeeze %swap3A_219 : memref<1x2048x1xi32, #tpu.memory_space<vmem>> -> memref<2048x1xi32, #tpu.memory_space<vmem>>
      %swap3A_221 = arith.constant 768 : index
      %swap3A_222 = arith.constant 0 : index
      %swap3A_223 = vector.load %swap3A_220[%swap3A_221, %swap3A_222] : memref<2048x1xi32, #tpu.memory_space<vmem>>, vector<256x1xi32>
      tpu.vector_store %swap3A_220[%swap3A_221, %swap3A_222], %convert_element_type3A_216 {strides = array<i32>} : memref<2048x1xi32, #tpu.memory_space<vmem>>, vector<256x1xi32>,
    } else {
    }
    %slice3A_125 = vector.extract_strided_slice %sub3A_79 {offsets = [1024, 0], sizes = [256, 1], strides = [1, 1]} : vector<2048x1xf32> to vector<256x1xf32>
    %reduce_min3A_126 = vector.shape_cast %slice3A_125 : vector<256x1xf32> to vector<1x256x1xf32>
    %reduce_min3A_127 = arith.constant dense<0x7F800000> : vector<1xf32>
    %reduce_min3A_128 = vector.multi_reduction <minimumf>, %reduce_min3A_126, %reduce_min3A_127 [1, 2] : vector<1x256x1xf32> to vector<1xf32>
    %reduce_min3A_129 = vector.shape_cast %reduce_min3A_128 : vector<1xf32> to vector<1x1x1xf32>
    %reduce_min3A_130 = vector.extract %reduce_min3A_129[0, 0, 0] : f32 from vector<1x1x1xf32>
    %lt3A_131 = arith.constant 9.99999974E-5 : f32
    %lt3A_132 = arith.cmpf olt, %reduce_min3A_130, %lt3A_131 : f32
    %convert_element_type3A_133 = arith.extui %lt3A_132 : i1 to i32
    %cond3A_134 = arith.constant 0 : i32
    %cond3A_135 = arith.constant 0 : i32
    %cond3A_136 = arith.cmpi ne, %convert_element_type3A_133, %cond3A_135 : i32
    scf.if %cond3A_136 {
      %slice3A_173 = vector.extract_strided_slice %get3A_3 {offsets = [1024, 0], sizes = [256, 128], strides = [1, 1]} : vector<2048x128xf32> to vector<256x128xf32>
      %slice3A_174 = vector.extract_strided_slice %eq3A_48 {offsets = [1024, 0], sizes = [256, 64], strides = [1, 1]} : vector<2048x64xi1> to vector<256x64xi1>
      %convert_element_type3A_175 = arith.extui %slice3A_174 : vector<256x64xi1> to vector<256x64xi32>
      %convert_element_type3A_176 = arith.sitofp %convert_element_type3A_175 : vector<256x64xi32> to vector<256x64xf32>
      %convert_element_type3A_177 = arith.truncf %convert_element_type3A_176 : vector<256x64xf32> to vector<256x64xbf16>
      %dot_general3A_178 = arith.constant dense<0.000000e+00> : vector<256x128xf32>
      %dot_general3A_179 = tpu.matmul %convert_element_type3A_177, %convert_element_type3A_65, %dot_general3A_178 {dimension_numbers = #tpu.dot_dimension_numbers<[1], [0], [0], [1], [0, 0, 1, 1], [], []>, transpose_lhs_hint = false} : vector<256x64xbf16>, vector<64x128xbf16>, vector<256x128xf32> -> vector<256x128xf32>
      %dot_general3A_180 = arith.constant dense<0.000000e+00> : vector<256x128xf32>
      %dot_general3A_181 = tpu.matmul %convert_element_type3A_177, %convert_element_type3A_68, %dot_general3A_180 {dimension_numbers = #tpu.dot_dimension_numbers<[1], [0], [0], [1], [0, 0, 1, 1], [], []>, transpose_lhs_hint = false} : vector<256x64xbf16>, vector<64x128xbf16>, vector<256x128xf32> -> vector<256x128xf32>
      %add3A_182 = arith.addf %dot_general3A_179, %dot_general3A_181 : vector<256x128xf32>
      %dot_general3A_183 = arith.constant dense<0.000000e+00> : vector<256x128xf32>
      %dot_general3A_184 = tpu.matmul %convert_element_type3A_177, %convert_element_type3A_71, %dot_general3A_183 {dimension_numbers = #tpu.dot_dimension_numbers<[1], [0], [0], [1], [0, 0, 1, 1], [], []>, transpose_lhs_hint = false} : vector<256x64xbf16>, vector<64x128xbf16>, vector<256x128xf32> -> vector<256x128xf32>
      %add3A_185 = arith.addf %add3A_182, %dot_general3A_184 : vector<256x128xf32>
      %sub3A_186 = arith.subf %slice3A_173, %add3A_185 : vector<256x128xf32>
      %slice3A_187 = vector.extract_strided_slice %eq3A_64 {offsets = [1024, 0], sizes = [256, 64], strides = [1, 1]} : vector<2048x64xi1> to vector<256x64xi1>
      %convert_element_type3A_188 = arith.extui %slice3A_187 : vector<256x64xi1> to vector<256x64xi32>
      %convert_element_type3A_189 = arith.sitofp %convert_element_type3A_188 : vector<256x64xi32> to vector<256x64xf32>
      %convert_element_type3A_190 = arith.truncf %convert_element_type3A_189 : vector<256x64xf32> to vector<256x64xbf16>
      %dot_general3A_191 = arith.constant dense<0.000000e+00> : vector<256x128xf32>
      %dot_general3A_192 = tpu.matmul %convert_element_type3A_190, %convert_element_type3A_65, %dot_general3A_191 {dimension_numbers = #tpu.dot_dimension_numbers<[1], [0], [0], [1], [0, 0, 1, 1], [], []>, transpose_lhs_hint = false} : vector<256x64xbf16>, vector<64x128xbf16>, vector<256x128xf32> -> vector<256x128xf32>
      %dot_general3A_193 = arith.constant dense<0.000000e+00> : vector<256x128xf32>
      %dot_general3A_194 = tpu.matmul %convert_element_type3A_190, %convert_element_type3A_68, %dot_general3A_193 {dimension_numbers = #tpu.dot_dimension_numbers<[1], [0], [0], [1], [0, 0, 1, 1], [], []>, transpose_lhs_hint = false} : vector<256x64xbf16>, vector<64x128xbf16>, vector<256x128xf32> -> vector<256x128xf32>
      %add3A_195 = arith.addf %dot_general3A_192, %dot_general3A_194 : vector<256x128xf32>
      %dot_general3A_196 = arith.constant dense<0.000000e+00> : vector<256x128xf32>
      %dot_general3A_197 = tpu.matmul %convert_element_type3A_190, %convert_element_type3A_71, %dot_general3A_196 {dimension_numbers = #tpu.dot_dimension_numbers<[1], [0], [0], [1], [0, 0, 1, 1], [], []>, transpose_lhs_hint = false} : vector<256x64xbf16>, vector<64x128xbf16>, vector<256x128xf32> -> vector<256x128xf32>
      %add3A_198 = arith.addf %add3A_195, %dot_general3A_197 : vector<256x128xf32>
      %sub3A_199 = arith.subf %slice3A_173, %add3A_198 : vector<256x128xf32>
      %mul3A_200 = arith.mulf %sub3A_186, %sub3A_186 : vector<256x128xf32>
      %reduce_sum3A_201 = arith.constant dense<0.000000e+00> : vector<256xf32>
      %reduce_sum3A_202 = vector.multi_reduction <add>, %mul3A_200, %reduce_sum3A_201 [1] : vector<256x128xf32> to vector<256xf32>
      %broadcast_in_dim3A_203 = vector.shape_cast %reduce_sum3A_202 : vector<256xf32> to vector<256x1xf32>
      %sqrt3A_204 = math.sqrt %broadcast_in_dim3A_203 : vector<256x1xf32>
      %mul3A_205 = arith.mulf %sub3A_199, %sub3A_199 : vector<256x128xf32>
      %reduce_sum3A_206 = arith.constant dense<0.000000e+00> : vector<256xf32>
      %reduce_sum3A_207 = vector.multi_reduction <add>, %mul3A_205, %reduce_sum3A_206 [1] : vector<256x128xf32> to vector<256xf32>
      %broadcast_in_dim3A_208 = vector.shape_cast %reduce_sum3A_207 : vector<256xf32> to vector<256x1xf32>
      %sqrt3A_209 = math.sqrt %broadcast_in_dim3A_208 : vector<256x1xf32>
      %slice3A_210 = vector.extract_strided_slice %broadcast_in_dim3A_46 {offsets = [1024, 0], sizes = [256, 1], strides = [1, 1]} : vector<2048x1xf32> to vector<256x1xf32>
      %slice3A_211 = vector.extract_strided_slice %broadcast_in_dim3A_62 {offsets = [1024, 0], sizes = [256, 1], strides = [1, 1]} : vector<2048x1xf32> to vector<256x1xf32>
      %lt3A_212 = arith.cmpf olt, %sqrt3A_209, %sqrt3A_204 : vector<256x1xf32>
      %select_n3A_213 = arith.select %lt3A_212, %slice3A_211, %slice3A_210 : vector<256x1xi1>, vector<256x1xf32>
      %eq3A_214 = arith.cmpf oeq, %sqrt3A_204, %sqrt3A_209 : vector<256x1xf32>
      %min3A = arith.minimumf %slice3A_210, %slice3A_211 : vector<256x1xf32>
      %select_n3A_215 = arith.select %eq3A_214, %min3A, %select_n3A_213 : vector<256x1xi1>, vector<256x1xf32>
      %convert_element_type3A_216 = arith.fptosi %select_n3A_215 : vector<256x1xf32> to vector<256x1xi32>
      %swap3A_217 = arith.constant 0 : i32
      %swap3A_218 = arith.constant 0 : i32
      %swap3A_219 = tpu.memref_slice %arg5[%cond3A_134, %swap3A_217, %swap3A_218] : memref<1x2048x1xi32, #tpu.memory_space<vmem>> -> memref<1x2048x1xi32, #tpu.memory_space<vmem>>
      %swap3A_220 = tpu.memref_squeeze %swap3A_219 : memref<1x2048x1xi32, #tpu.memory_space<vmem>> -> memref<2048x1xi32, #tpu.memory_space<vmem>>
      %swap3A_221 = arith.constant 1024 : index
      %swap3A_222 = arith.constant 0 : index
      %swap3A_223 = vector.load %swap3A_220[%swap3A_221, %swap3A_222] : memref<2048x1xi32, #tpu.memory_space<vmem>>, vector<256x1xi32>
      tpu.vector_store %swap3A_220[%swap3A_221, %swap3A_222], %convert_element_type3A_216 {strides = array<i32>} : memref<2048x1xi32, #tpu.memory_space<vmem>>, vector<256x1xi32>,
    } else {
    }
    %slice3A_137 = vector.extract_strided_slice %sub3A_79 {offsets = [1280, 0], sizes = [256, 1], strides = [1, 1]} : vector<2048x1xf32> to vector<256x1xf32>
    %reduce_min3A_138 = vector.shape_cast %slice3A_137 : vector<256x1xf32> to vector<1x256x1xf32>
    %reduce_min3A_139 = arith.constant dense<0x7F800000> : vector<1xf32>
    %reduce_min3A_140 = vector.multi_reduction <minimumf>, %reduce_min3A_138, %reduce_min3A_139 [1, 2] : vector<1x256x1xf32> to vector<1xf32>
    %reduce_min3A_141 = vector.shape_cast %reduce_min3A_140 : vector<1xf32> to vector<1x1x1xf32>
    %reduce_min3A_142 = vector.extract %reduce_min3A_141[0, 0, 0] : f32 from vector<1x1x1xf32>
    %lt3A_143 = arith.constant 9.99999974E-5 : f32
    %lt3A_144 = arith.cmpf olt, %reduce_min3A_142, %lt3A_143 : f32
    %convert_element_type3A_145 = arith.extui %lt3A_144 : i1 to i32
    %cond3A_146 = arith.constant 0 : i32
    %cond3A_147 = arith.constant 0 : i32
    %cond3A_148 = arith.cmpi ne, %convert_element_type3A_145, %cond3A_147 : i32
    scf.if %cond3A_148 {
      %slice3A_173 = vector.extract_strided_slice %get3A_3 {offsets = [1280, 0], sizes = [256, 128], strides = [1, 1]} : vector<2048x128xf32> to vector<256x128xf32>
      %slice3A_174 = vector.extract_strided_slice %eq3A_48 {offsets = [1280, 0], sizes = [256, 64], strides = [1, 1]} : vector<2048x64xi1> to vector<256x64xi1>
      %convert_element_type3A_175 = arith.extui %slice3A_174 : vector<256x64xi1> to vector<256x64xi32>
      %convert_element_type3A_176 = arith.sitofp %convert_element_type3A_175 : vector<256x64xi32> to vector<256x64xf32>
      %convert_element_type3A_177 = arith.truncf %convert_element_type3A_176 : vector<256x64xf32> to vector<256x64xbf16>
      %dot_general3A_178 = arith.constant dense<0.000000e+00> : vector<256x128xf32>
      %dot_general3A_179 = tpu.matmul %convert_element_type3A_177, %convert_element_type3A_65, %dot_general3A_178 {dimension_numbers = #tpu.dot_dimension_numbers<[1], [0], [0], [1], [0, 0, 1, 1], [], []>, transpose_lhs_hint = false} : vector<256x64xbf16>, vector<64x128xbf16>, vector<256x128xf32> -> vector<256x128xf32>
      %dot_general3A_180 = arith.constant dense<0.000000e+00> : vector<256x128xf32>
      %dot_general3A_181 = tpu.matmul %convert_element_type3A_177, %convert_element_type3A_68, %dot_general3A_180 {dimension_numbers = #tpu.dot_dimension_numbers<[1], [0], [0], [1], [0, 0, 1, 1], [], []>, transpose_lhs_hint = false} : vector<256x64xbf16>, vector<64x128xbf16>, vector<256x128xf32> -> vector<256x128xf32>
      %add3A_182 = arith.addf %dot_general3A_179, %dot_general3A_181 : vector<256x128xf32>
      %dot_general3A_183 = arith.constant dense<0.000000e+00> : vector<256x128xf32>
      %dot_general3A_184 = tpu.matmul %convert_element_type3A_177, %convert_element_type3A_71, %dot_general3A_183 {dimension_numbers = #tpu.dot_dimension_numbers<[1], [0], [0], [1], [0, 0, 1, 1], [], []>, transpose_lhs_hint = false} : vector<256x64xbf16>, vector<64x128xbf16>, vector<256x128xf32> -> vector<256x128xf32>
      %add3A_185 = arith.addf %add3A_182, %dot_general3A_184 : vector<256x128xf32>
      %sub3A_186 = arith.subf %slice3A_173, %add3A_185 : vector<256x128xf32>
      %slice3A_187 = vector.extract_strided_slice %eq3A_64 {offsets = [1280, 0], sizes = [256, 64], strides = [1, 1]} : vector<2048x64xi1> to vector<256x64xi1>
      %convert_element_type3A_188 = arith.extui %slice3A_187 : vector<256x64xi1> to vector<256x64xi32>
      %convert_element_type3A_189 = arith.sitofp %convert_element_type3A_188 : vector<256x64xi32> to vector<256x64xf32>
      %convert_element_type3A_190 = arith.truncf %convert_element_type3A_189 : vector<256x64xf32> to vector<256x64xbf16>
      %dot_general3A_191 = arith.constant dense<0.000000e+00> : vector<256x128xf32>
      %dot_general3A_192 = tpu.matmul %convert_element_type3A_190, %convert_element_type3A_65, %dot_general3A_191 {dimension_numbers = #tpu.dot_dimension_numbers<[1], [0], [0], [1], [0, 0, 1, 1], [], []>, transpose_lhs_hint = false} : vector<256x64xbf16>, vector<64x128xbf16>, vector<256x128xf32> -> vector<256x128xf32>
      %dot_general3A_193 = arith.constant dense<0.000000e+00> : vector<256x128xf32>
      %dot_general3A_194 = tpu.matmul %convert_element_type3A_190, %convert_element_type3A_68, %dot_general3A_193 {dimension_numbers = #tpu.dot_dimension_numbers<[1], [0], [0], [1], [0, 0, 1, 1], [], []>, transpose_lhs_hint = false} : vector<256x64xbf16>, vector<64x128xbf16>, vector<256x128xf32> -> vector<256x128xf32>
      %add3A_195 = arith.addf %dot_general3A_192, %dot_general3A_194 : vector<256x128xf32>
      %dot_general3A_196 = arith.constant dense<0.000000e+00> : vector<256x128xf32>
      %dot_general3A_197 = tpu.matmul %convert_element_type3A_190, %convert_element_type3A_71, %dot_general3A_196 {dimension_numbers = #tpu.dot_dimension_numbers<[1], [0], [0], [1], [0, 0, 1, 1], [], []>, transpose_lhs_hint = false} : vector<256x64xbf16>, vector<64x128xbf16>, vector<256x128xf32> -> vector<256x128xf32>
      %add3A_198 = arith.addf %add3A_195, %dot_general3A_197 : vector<256x128xf32>
      %sub3A_199 = arith.subf %slice3A_173, %add3A_198 : vector<256x128xf32>
      %mul3A_200 = arith.mulf %sub3A_186, %sub3A_186 : vector<256x128xf32>
      %reduce_sum3A_201 = arith.constant dense<0.000000e+00> : vector<256xf32>
      %reduce_sum3A_202 = vector.multi_reduction <add>, %mul3A_200, %reduce_sum3A_201 [1] : vector<256x128xf32> to vector<256xf32>
      %broadcast_in_dim3A_203 = vector.shape_cast %reduce_sum3A_202 : vector<256xf32> to vector<256x1xf32>
      %sqrt3A_204 = math.sqrt %broadcast_in_dim3A_203 : vector<256x1xf32>
      %mul3A_205 = arith.mulf %sub3A_199, %sub3A_199 : vector<256x128xf32>
      %reduce_sum3A_206 = arith.constant dense<0.000000e+00> : vector<256xf32>
      %reduce_sum3A_207 = vector.multi_reduction <add>, %mul3A_205, %reduce_sum3A_206 [1] : vector<256x128xf32> to vector<256xf32>
      %broadcast_in_dim3A_208 = vector.shape_cast %reduce_sum3A_207 : vector<256xf32> to vector<256x1xf32>
      %sqrt3A_209 = math.sqrt %broadcast_in_dim3A_208 : vector<256x1xf32>
      %slice3A_210 = vector.extract_strided_slice %broadcast_in_dim3A_46 {offsets = [1280, 0], sizes = [256, 1], strides = [1, 1]} : vector<2048x1xf32> to vector<256x1xf32>
      %slice3A_211 = vector.extract_strided_slice %broadcast_in_dim3A_62 {offsets = [1280, 0], sizes = [256, 1], strides = [1, 1]} : vector<2048x1xf32> to vector<256x1xf32>
      %lt3A_212 = arith.cmpf olt, %sqrt3A_209, %sqrt3A_204 : vector<256x1xf32>
      %select_n3A_213 = arith.select %lt3A_212, %slice3A_211, %slice3A_210 : vector<256x1xi1>, vector<256x1xf32>
      %eq3A_214 = arith.cmpf oeq, %sqrt3A_204, %sqrt3A_209 : vector<256x1xf32>
      %min3A = arith.minimumf %slice3A_210, %slice3A_211 : vector<256x1xf32>
      %select_n3A_215 = arith.select %eq3A_214, %min3A, %select_n3A_213 : vector<256x1xi1>, vector<256x1xf32>
      %convert_element_type3A_216 = arith.fptosi %select_n3A_215 : vector<256x1xf32> to vector<256x1xi32>
      %swap3A_217 = arith.constant 0 : i32
      %swap3A_218 = arith.constant 0 : i32
      %swap3A_219 = tpu.memref_slice %arg5[%cond3A_146, %swap3A_217, %swap3A_218] : memref<1x2048x1xi32, #tpu.memory_space<vmem>> -> memref<1x2048x1xi32, #tpu.memory_space<vmem>>
      %swap3A_220 = tpu.memref_squeeze %swap3A_219 : memref<1x2048x1xi32, #tpu.memory_space<vmem>> -> memref<2048x1xi32, #tpu.memory_space<vmem>>
      %swap3A_221 = arith.constant 1280 : index
      %swap3A_222 = arith.constant 0 : index
      %swap3A_223 = vector.load %swap3A_220[%swap3A_221, %swap3A_222] : memref<2048x1xi32, #tpu.memory_space<vmem>>, vector<256x1xi32>
      tpu.vector_store %swap3A_220[%swap3A_221, %swap3A_222], %convert_element_type3A_216 {strides = array<i32>} : memref<2048x1xi32, #tpu.memory_space<vmem>>, vector<256x1xi32>,
    } else {
    }
    %slice3A_149 = vector.extract_strided_slice %sub3A_79 {offsets = [1536, 0], sizes = [256, 1], strides = [1, 1]} : vector<2048x1xf32> to vector<256x1xf32>
    %reduce_min3A_150 = vector.shape_cast %slice3A_149 : vector<256x1xf32> to vector<1x256x1xf32>
    %reduce_min3A_151 = arith.constant dense<0x7F800000> : vector<1xf32>
    %reduce_min3A_152 = vector.multi_reduction <minimumf>, %reduce_min3A_150, %reduce_min3A_151 [1, 2] : vector<1x256x1xf32> to vector<1xf32>
    %reduce_min3A_153 = vector.shape_cast %reduce_min3A_152 : vector<1xf32> to vector<1x1x1xf32>
    %reduce_min3A_154 = vector.extract %reduce_min3A_153[0, 0, 0] : f32 from vector<1x1x1xf32>
    %lt3A_155 = arith.constant 9.99999974E-5 : f32
    %lt3A_156 = arith.cmpf olt, %reduce_min3A_154, %lt3A_155 : f32
    %convert_element_type3A_157 = arith.extui %lt3A_156 : i1 to i32
    %cond3A_158 = arith.constant 0 : i32
    %cond3A_159 = arith.constant 0 : i32
    %cond3A_160 = arith.cmpi ne, %convert_element_type3A_157, %cond3A_159 : i32
    scf.if %cond3A_160 {
      %slice3A_173 = vector.extract_strided_slice %get3A_3 {offsets = [1536, 0], sizes = [256, 128], strides = [1, 1]} : vector<2048x128xf32> to vector<256x128xf32>
      %slice3A_174 = vector.extract_strided_slice %eq3A_48 {offsets = [1536, 0], sizes = [256, 64], strides = [1, 1]} : vector<2048x64xi1> to vector<256x64xi1>
      %convert_element_type3A_175 = arith.extui %slice3A_174 : vector<256x64xi1> to vector<256x64xi32>
      %convert_element_type3A_176 = arith.sitofp %convert_element_type3A_175 : vector<256x64xi32> to vector<256x64xf32>
      %convert_element_type3A_177 = arith.truncf %convert_element_type3A_176 : vector<256x64xf32> to vector<256x64xbf16>
      %dot_general3A_178 = arith.constant dense<0.000000e+00> : vector<256x128xf32>
      %dot_general3A_179 = tpu.matmul %convert_element_type3A_177, %convert_element_type3A_65, %dot_general3A_178 {dimension_numbers = #tpu.dot_dimension_numbers<[1], [0], [0], [1], [0, 0, 1, 1], [], []>, transpose_lhs_hint = false} : vector<256x64xbf16>, vector<64x128xbf16>, vector<256x128xf32> -> vector<256x128xf32>
      %dot_general3A_180 = arith.constant dense<0.000000e+00> : vector<256x128xf32>
      %dot_general3A_181 = tpu.matmul %convert_element_type3A_177, %convert_element_type3A_68, %dot_general3A_180 {dimension_numbers = #tpu.dot_dimension_numbers<[1], [0], [0], [1], [0, 0, 1, 1], [], []>, transpose_lhs_hint = false} : vector<256x64xbf16>, vector<64x128xbf16>, vector<256x128xf32> -> vector<256x128xf32>
      %add3A_182 = arith.addf %dot_general3A_179, %dot_general3A_181 : vector<256x128xf32>
      %dot_general3A_183 = arith.constant dense<0.000000e+00> : vector<256x128xf32>
      %dot_general3A_184 = tpu.matmul %convert_element_type3A_177, %convert_element_type3A_71, %dot_general3A_183 {dimension_numbers = #tpu.dot_dimension_numbers<[1], [0], [0], [1], [0, 0, 1, 1], [], []>, transpose_lhs_hint = false} : vector<256x64xbf16>, vector<64x128xbf16>, vector<256x128xf32> -> vector<256x128xf32>
      %add3A_185 = arith.addf %add3A_182, %dot_general3A_184 : vector<256x128xf32>
      %sub3A_186 = arith.subf %slice3A_173, %add3A_185 : vector<256x128xf32>
      %slice3A_187 = vector.extract_strided_slice %eq3A_64 {offsets = [1536, 0], sizes = [256, 64], strides = [1, 1]} : vector<2048x64xi1> to vector<256x64xi1>
      %convert_element_type3A_188 = arith.extui %slice3A_187 : vector<256x64xi1> to vector<256x64xi32>
      %convert_element_type3A_189 = arith.sitofp %convert_element_type3A_188 : vector<256x64xi32> to vector<256x64xf32>
      %convert_element_type3A_190 = arith.truncf %convert_element_type3A_189 : vector<256x64xf32> to vector<256x64xbf16>
      %dot_general3A_191 = arith.constant dense<0.000000e+00> : vector<256x128xf32>
      %dot_general3A_192 = tpu.matmul %convert_element_type3A_190, %convert_element_type3A_65, %dot_general3A_191 {dimension_numbers = #tpu.dot_dimension_numbers<[1], [0], [0], [1], [0, 0, 1, 1], [], []>, transpose_lhs_hint = false} : vector<256x64xbf16>, vector<64x128xbf16>, vector<256x128xf32> -> vector<256x128xf32>
      %dot_general3A_193 = arith.constant dense<0.000000e+00> : vector<256x128xf32>
      %dot_general3A_194 = tpu.matmul %convert_element_type3A_190, %convert_element_type3A_68, %dot_general3A_193 {dimension_numbers = #tpu.dot_dimension_numbers<[1], [0], [0], [1], [0, 0, 1, 1], [], []>, transpose_lhs_hint = false} : vector<256x64xbf16>, vector<64x128xbf16>, vector<256x128xf32> -> vector<256x128xf32>
      %add3A_195 = arith.addf %dot_general3A_192, %dot_general3A_194 : vector<256x128xf32>
      %dot_general3A_196 = arith.constant dense<0.000000e+00> : vector<256x128xf32>
      %dot_general3A_197 = tpu.matmul %convert_element_type3A_190, %convert_element_type3A_71, %dot_general3A_196 {dimension_numbers = #tpu.dot_dimension_numbers<[1], [0], [0], [1], [0, 0, 1, 1], [], []>, transpose_lhs_hint = false} : vector<256x64xbf16>, vector<64x128xbf16>, vector<256x128xf32> -> vector<256x128xf32>
      %add3A_198 = arith.addf %add3A_195, %dot_general3A_197 : vector<256x128xf32>
      %sub3A_199 = arith.subf %slice3A_173, %add3A_198 : vector<256x128xf32>
      %mul3A_200 = arith.mulf %sub3A_186, %sub3A_186 : vector<256x128xf32>
      %reduce_sum3A_201 = arith.constant dense<0.000000e+00> : vector<256xf32>
      %reduce_sum3A_202 = vector.multi_reduction <add>, %mul3A_200, %reduce_sum3A_201 [1] : vector<256x128xf32> to vector<256xf32>
      %broadcast_in_dim3A_203 = vector.shape_cast %reduce_sum3A_202 : vector<256xf32> to vector<256x1xf32>
      %sqrt3A_204 = math.sqrt %broadcast_in_dim3A_203 : vector<256x1xf32>
      %mul3A_205 = arith.mulf %sub3A_199, %sub3A_199 : vector<256x128xf32>
      %reduce_sum3A_206 = arith.constant dense<0.000000e+00> : vector<256xf32>
      %reduce_sum3A_207 = vector.multi_reduction <add>, %mul3A_205, %reduce_sum3A_206 [1] : vector<256x128xf32> to vector<256xf32>
      %broadcast_in_dim3A_208 = vector.shape_cast %reduce_sum3A_207 : vector<256xf32> to vector<256x1xf32>
      %sqrt3A_209 = math.sqrt %broadcast_in_dim3A_208 : vector<256x1xf32>
      %slice3A_210 = vector.extract_strided_slice %broadcast_in_dim3A_46 {offsets = [1536, 0], sizes = [256, 1], strides = [1, 1]} : vector<2048x1xf32> to vector<256x1xf32>
      %slice3A_211 = vector.extract_strided_slice %broadcast_in_dim3A_62 {offsets = [1536, 0], sizes = [256, 1], strides = [1, 1]} : vector<2048x1xf32> to vector<256x1xf32>
      %lt3A_212 = arith.cmpf olt, %sqrt3A_209, %sqrt3A_204 : vector<256x1xf32>
      %select_n3A_213 = arith.select %lt3A_212, %slice3A_211, %slice3A_210 : vector<256x1xi1>, vector<256x1xf32>
      %eq3A_214 = arith.cmpf oeq, %sqrt3A_204, %sqrt3A_209 : vector<256x1xf32>
      %min3A = arith.minimumf %slice3A_210, %slice3A_211 : vector<256x1xf32>
      %select_n3A_215 = arith.select %eq3A_214, %min3A, %select_n3A_213 : vector<256x1xi1>, vector<256x1xf32>
      %convert_element_type3A_216 = arith.fptosi %select_n3A_215 : vector<256x1xf32> to vector<256x1xi32>
      %swap3A_217 = arith.constant 0 : i32
      %swap3A_218 = arith.constant 0 : i32
      %swap3A_219 = tpu.memref_slice %arg5[%cond3A_158, %swap3A_217, %swap3A_218] : memref<1x2048x1xi32, #tpu.memory_space<vmem>> -> memref<1x2048x1xi32, #tpu.memory_space<vmem>>
      %swap3A_220 = tpu.memref_squeeze %swap3A_219 : memref<1x2048x1xi32, #tpu.memory_space<vmem>> -> memref<2048x1xi32, #tpu.memory_space<vmem>>
      %swap3A_221 = arith.constant 1536 : index
      %swap3A_222 = arith.constant 0 : index
      %swap3A_223 = vector.load %swap3A_220[%swap3A_221, %swap3A_222] : memref<2048x1xi32, #tpu.memory_space<vmem>>, vector<256x1xi32>
      tpu.vector_store %swap3A_220[%swap3A_221, %swap3A_222], %convert_element_type3A_216 {strides = array<i32>} : memref<2048x1xi32, #tpu.memory_space<vmem>>, vector<256x1xi32>,
    } else {
    }
    %slice3A_161 = vector.extract_strided_slice %sub3A_79 {offsets = [1792, 0], sizes = [256, 1], strides = [1, 1]} : vector<2048x1xf32> to vector<256x1xf32>
    %reduce_min3A_162 = vector.shape_cast %slice3A_161 : vector<256x1xf32> to vector<1x256x1xf32>
    %reduce_min3A_163 = arith.constant dense<0x7F800000> : vector<1xf32>
    %reduce_min3A_164 = vector.multi_reduction <minimumf>, %reduce_min3A_162, %reduce_min3A_163 [1, 2] : vector<1x256x1xf32> to vector<1xf32>
    %reduce_min3A_165 = vector.shape_cast %reduce_min3A_164 : vector<1xf32> to vector<1x1x1xf32>
    %reduce_min3A_166 = vector.extract %reduce_min3A_165[0, 0, 0] : f32 from vector<1x1x1xf32>
    %lt3A_167 = arith.constant 9.99999974E-5 : f32
    %lt3A_168 = arith.cmpf olt, %reduce_min3A_166, %lt3A_167 : f32
    %convert_element_type3A_169 = arith.extui %lt3A_168 : i1 to i32
    %cond3A_170 = arith.constant 0 : i32
    %cond3A_171 = arith.constant 0 : i32
    %cond3A_172 = arith.cmpi ne, %convert_element_type3A_169, %cond3A_171 : i32
    scf.if %cond3A_172 {
      %slice3A_173 = vector.extract_strided_slice %get3A_3 {offsets = [1792, 0], sizes = [256, 128], strides = [1, 1]} : vector<2048x128xf32> to vector<256x128xf32>
      %slice3A_174 = vector.extract_strided_slice %eq3A_48 {offsets = [1792, 0], sizes = [256, 64], strides = [1, 1]} : vector<2048x64xi1> to vector<256x64xi1>
      %convert_element_type3A_175 = arith.extui %slice3A_174 : vector<256x64xi1> to vector<256x64xi32>
      %convert_element_type3A_176 = arith.sitofp %convert_element_type3A_175 : vector<256x64xi32> to vector<256x64xf32>
      %convert_element_type3A_177 = arith.truncf %convert_element_type3A_176 : vector<256x64xf32> to vector<256x64xbf16>
      %dot_general3A_178 = arith.constant dense<0.000000e+00> : vector<256x128xf32>
      %dot_general3A_179 = tpu.matmul %convert_element_type3A_177, %convert_element_type3A_65, %dot_general3A_178 {dimension_numbers = #tpu.dot_dimension_numbers<[1], [0], [0], [1], [0, 0, 1, 1], [], []>, transpose_lhs_hint = false} : vector<256x64xbf16>, vector<64x128xbf16>, vector<256x128xf32> -> vector<256x128xf32>
      %dot_general3A_180 = arith.constant dense<0.000000e+00> : vector<256x128xf32>
      %dot_general3A_181 = tpu.matmul %convert_element_type3A_177, %convert_element_type3A_68, %dot_general3A_180 {dimension_numbers = #tpu.dot_dimension_numbers<[1], [0], [0], [1], [0, 0, 1, 1], [], []>, transpose_lhs_hint = false} : vector<256x64xbf16>, vector<64x128xbf16>, vector<256x128xf32> -> vector<256x128xf32>
      %add3A_182 = arith.addf %dot_general3A_179, %dot_general3A_181 : vector<256x128xf32>
      %dot_general3A_183 = arith.constant dense<0.000000e+00> : vector<256x128xf32>
      %dot_general3A_184 = tpu.matmul %convert_element_type3A_177, %convert_element_type3A_71, %dot_general3A_183 {dimension_numbers = #tpu.dot_dimension_numbers<[1], [0], [0], [1], [0, 0, 1, 1], [], []>, transpose_lhs_hint = false} : vector<256x64xbf16>, vector<64x128xbf16>, vector<256x128xf32> -> vector<256x128xf32>
      %add3A_185 = arith.addf %add3A_182, %dot_general3A_184 : vector<256x128xf32>
      %sub3A_186 = arith.subf %slice3A_173, %add3A_185 : vector<256x128xf32>
      %slice3A_187 = vector.extract_strided_slice %eq3A_64 {offsets = [1792, 0], sizes = [256, 64], strides = [1, 1]} : vector<2048x64xi1> to vector<256x64xi1>
      %convert_element_type3A_188 = arith.extui %slice3A_187 : vector<256x64xi1> to vector<256x64xi32>
      %convert_element_type3A_189 = arith.sitofp %convert_element_type3A_188 : vector<256x64xi32> to vector<256x64xf32>
      %convert_element_type3A_190 = arith.truncf %convert_element_type3A_189 : vector<256x64xf32> to vector<256x64xbf16>
      %dot_general3A_191 = arith.constant dense<0.000000e+00> : vector<256x128xf32>
      %dot_general3A_192 = tpu.matmul %convert_element_type3A_190, %convert_element_type3A_65, %dot_general3A_191 {dimension_numbers = #tpu.dot_dimension_numbers<[1], [0], [0], [1], [0, 0, 1, 1], [], []>, transpose_lhs_hint = false} : vector<256x64xbf16>, vector<64x128xbf16>, vector<256x128xf32> -> vector<256x128xf32>
      %dot_general3A_193 = arith.constant dense<0.000000e+00> : vector<256x128xf32>
      %dot_general3A_194 = tpu.matmul %convert_element_type3A_190, %convert_element_type3A_68, %dot_general3A_193 {dimension_numbers = #tpu.dot_dimension_numbers<[1], [0], [0], [1], [0, 0, 1, 1], [], []>, transpose_lhs_hint = false} : vector<256x64xbf16>, vector<64x128xbf16>, vector<256x128xf32> -> vector<256x128xf32>
      %add3A_195 = arith.addf %dot_general3A_192, %dot_general3A_194 : vector<256x128xf32>
      %dot_general3A_196 = arith.constant dense<0.000000e+00> : vector<256x128xf32>
      %dot_general3A_197 = tpu.matmul %convert_element_type3A_190, %convert_element_type3A_71, %dot_general3A_196 {dimension_numbers = #tpu.dot_dimension_numbers<[1], [0], [0], [1], [0, 0, 1, 1], [], []>, transpose_lhs_hint = false} : vector<256x64xbf16>, vector<64x128xbf16>, vector<256x128xf32> -> vector<256x128xf32>
      %add3A_198 = arith.addf %add3A_195, %dot_general3A_197 : vector<256x128xf32>
      %sub3A_199 = arith.subf %slice3A_173, %add3A_198 : vector<256x128xf32>
      %mul3A_200 = arith.mulf %sub3A_186, %sub3A_186 : vector<256x128xf32>
      %reduce_sum3A_201 = arith.constant dense<0.000000e+00> : vector<256xf32>
      %reduce_sum3A_202 = vector.multi_reduction <add>, %mul3A_200, %reduce_sum3A_201 [1] : vector<256x128xf32> to vector<256xf32>
      %broadcast_in_dim3A_203 = vector.shape_cast %reduce_sum3A_202 : vector<256xf32> to vector<256x1xf32>
      %sqrt3A_204 = math.sqrt %broadcast_in_dim3A_203 : vector<256x1xf32>
      %mul3A_205 = arith.mulf %sub3A_199, %sub3A_199 : vector<256x128xf32>
      %reduce_sum3A_206 = arith.constant dense<0.000000e+00> : vector<256xf32>
      %reduce_sum3A_207 = vector.multi_reduction <add>, %mul3A_205, %reduce_sum3A_206 [1] : vector<256x128xf32> to vector<256xf32>
      %broadcast_in_dim3A_208 = vector.shape_cast %reduce_sum3A_207 : vector<256xf32> to vector<256x1xf32>
      %sqrt3A_209 = math.sqrt %broadcast_in_dim3A_208 : vector<256x1xf32>
      %slice3A_210 = vector.extract_strided_slice %broadcast_in_dim3A_46 {offsets = [1792, 0], sizes = [256, 1], strides = [1, 1]} : vector<2048x1xf32> to vector<256x1xf32>
      %slice3A_211 = vector.extract_strided_slice %broadcast_in_dim3A_62 {offsets = [1792, 0], sizes = [256, 1], strides = [1, 1]} : vector<2048x1xf32> to vector<256x1xf32>
      %lt3A_212 = arith.cmpf olt, %sqrt3A_209, %sqrt3A_204 : vector<256x1xf32>
      %select_n3A_213 = arith.select %lt3A_212, %slice3A_211, %slice3A_210 : vector<256x1xi1>, vector<256x1xf32>
      %eq3A_214 = arith.cmpf oeq, %sqrt3A_204, %sqrt3A_209 : vector<256x1xf32>
      %min3A = arith.minimumf %slice3A_210, %slice3A_211 : vector<256x1xf32>
      %select_n3A_215 = arith.select %eq3A_214, %min3A, %select_n3A_213 : vector<256x1xi1>, vector<256x1xf32>
      %convert_element_type3A_216 = arith.fptosi %select_n3A_215 : vector<256x1xf32> to vector<256x1xi32>
      %swap3A_217 = arith.constant 0 : i32
      %swap3A_218 = arith.constant 0 : i32
      %swap3A_219 = tpu.memref_slice %arg5[%cond3A_170, %swap3A_217, %swap3A_218] : memref<1x2048x1xi32, #tpu.memory_space<vmem>> -> memref<1x2048x1xi32, #tpu.memory_space<vmem>>
      %swap3A_220 = tpu.memref_squeeze %swap3A_219 : memref<1x2048x1xi32, #tpu.memory_space<vmem>> -> memref<2048x1xi32, #tpu.memory_space<vmem>>
      %swap3A_221 = arith.constant 1792 : index
      %swap3A_222 = arith.constant 0 : index
      %swap3A_223 = vector.load %swap3A_220[%swap3A_221, %swap3A_222] : memref<2048x1xi32, #tpu.memory_space<vmem>>, vector<256x1xi32>
      tpu.vector_store %swap3A_220[%swap3A_221, %swap3A_222], %convert_element_type3A_216 {strides = array<i32>} : memref<2048x1xi32, #tpu.memory_space<vmem>>, vector<256x1xi32>,
    } else {
    }
    return
  }
  func.func @transform_0(%arg0: i32) -> (i32, i32, i32) {
    %c0_i32 = arith.constant 0 : i32
    %c0_i32_0 = arith.constant 0 : i32
    %c0_i32_1 = arith.constant 0 : i32
    return %arg0, %c0_i32, %c0_i32_0 : i32, i32, i32
  }
  func.func @transform_1(%arg0: i32) -> (i32, i32, i32) {
    %c0_i32 = arith.constant 0 : i32
    %c0_i32_0 = arith.constant 0 : i32
    %c0_i32_1 = arith.constant 0 : i32
    return %arg0, %c0_i32, %c0_i32_0 : i32, i32, i32
  }
  func.func @transform_2(%arg0: i32) -> (i32, i32, i32) {
    %c0_i32 = arith.constant 0 : i32
    %c0_i32_0 = arith.constant 0 : i32
    %c0_i32_1 = arith.constant 0 : i32
    return %arg0, %c0_i32, %c0_i32_0 : i32, i32, i32
  }
  func.func @transform_3(%arg0: i32) -> (i32, i32, i32) {
    %c0_i32 = arith.constant 0 : i32
    %c0_i32_0 = arith.constant 0 : i32
    %c0_i32_1 = arith.constant 0 : i32
    return %arg0, %c0_i32, %c0_i32_0 : i32, i32, i32
  }
  func.func @transform_4(%arg0: i32) -> (i32, i32, i32) {
    %c0_i32 = arith.constant 0 : i32
    %c0_i32_0 = arith.constant 0 : i32
    %c0_i32_1 = arith.constant 0 : i32
    return %arg0, %c0_i32, %c0_i32_0 : i32, i32, i32
  }
}

</mosaic_0001>

<sc_bundles>
// kernel: kernel.4.cloned.1.call-start
scs
__scs_entry_jumppad:
0x0: {  	(pc) =	sbr.rel $0x88, $3  }
0x1: {  	(tag) =	ssettag $0x0;
	lr =	simm.s32 $0x1  }
0x2: {  	[smem:$0x3F9F] =	sst lr;
	_ =	strace $0xD0000000  }
0x3: {  	_ = 	snop  }
0x4: {  	_ = 	snop  }
0x5: {  	_ = 	snop  }
0x6: {  	_ = 	snop  }
0x7: {  	_ = 	snop  }
__scs_overlays_trampoline_lowered:
0x8: {  	[smem:$0x3FAE] =	sst s0  }
0x9: {  	[smem:$0x3FAF] =	sst s1  }
0xa: {  	[smem:$0x3FB0] =	sst s2  }
0xb: {  	[smem:$0x3FB1] =	sst s3  }
0xc: {  	[smem:$0x3FB2] =	sst s4  }
0xd: {  	[smem:$0x3FB3] =	sst s5  }
0xe: {  	[smem:$0x3FB4] =	sst s6  }
0xf: {  	[smem:$0x3FB5] =	sst s7  }
0x10: {  	[smem:$0x3FB6] =	sst s8  }
0x11: {  	[smem:$0x3FB7] =	sst s9;
	s0 =	simm.s32 @!p0 $0x0  }
0x12: {  	s1 =	sld [smem:$0x3F9D];
	s0 =	simm.s32 @p0 $0x1  }
0x13: {  	[smem:$0x3FB8] =	sst s0;
	s0 =	simm.s32 @!p1 $0x0  }
0x14: {  	s2 =	sld [smem:$0x3F9C];
	s0 =	simm.s32 @p1 $0x1  }
0x15: {  	[smem:$0x3FB9] =	sst s0;
	s0 =	simm.s32 @!p2 $0x0  }
0x16: {  	s3 =	sld [smem:$0x3FDB];
	s0 =	simm.s32 @p2 $0x1  }
0x17: {  	s4 =	simm.s32 $0x1BF5;
	[smem:$0x3FBB] =	sst s0  }
0x18: {  	s0 =	sld [smem:$0x3F9E];
	_ =	swait.ge [sflag:s4], $0x0  }
0x19: {  	s7 =	sld [smem:$0x3F9F]  }
0x1a: {  	s8 =	sadd.s32 $0xFFFFE003, lr  }
0x1b: {  	s9 =	sadd.s32 $0xFFFFFEF7, lr;
	s5 =	simm.s32 $0xFFFFFFFF;
	p2 =	slt.u32 s8, $0xFFFFF086  }
0x1c: {  	p1 =	slt.u32 s9, $0xF7A;
	s5 =	simm.s32 @!p2 $0x0  }
0x1d: {  	s5 =	simm.s32 @p1 $0x1;
	p0 =	seq.s32 s7, s2  }
0x1e: {  	s7 =	smul.u32 @!p0 $0xF7A, s2;
	p2 =	seq.s32 @!p0 s5, $0x0  }
0x1f: {  	s9 =	smul.u32 $0xF7A, s1;
	s8 =	simm.s32 @!p0 $0x1BF5;
	p2 =	por !p2, p0  }
0x20: {  	[sflag:s8] =	ssyncset.s32 @!p0 $0xFFFFF086;
	s6 =	sadd.s32 @!p0 s3, s7;
	s7 =	simm.s32 @!p0 $0x108  }
0x21: {  	s3 =	sadd.s32 s3, s9;
	s6 =	sadd.s32 @!p0 $0x88, s6;
	s7 =	simm.s32 @p2 $0x1082  }
0x22: {  	[simem:s7], [sflag:s8] =	dma.local @!p0 [hbm:s6], $0xF7A  }
0x23: {  	s9 =	sor.u32 $0xD0000000, s2;
	s6 =	simm.s32 $0x108;
	_ =	swait.ge @!p0 [sflag:s8], $0x0  }
0x24: {  	s3 =	sadd.s32 $0x88, s3;
	s6 =	simm.s32 @!p1 $0x1082;
	[sflag:s4] =	ssyncset.s32 $0xFFFFF086  }
0x25: {  	[simem:s6], [sflag:s4] =	dma.local [hbm:s3], $0xF7A  }
0x26: {  	[smem:$0x3F9F] =	sst s1;
	(tag) =	ssettag s2;
	_ =	strace s9  }
0x27: {  	s1 =	sld [smem:$0x3FAF]  }
0x28: {  	s2 =	sld [smem:$0x3FB0]  }
0x29: {  	s4 =	sld [smem:$0x3FB2]  }
0x2a: {  	p0 =	seq.s32 s5, $0x0;
	s5 =	sld [smem:$0x3FB3]  }
0x2b: {  	s6 =	sld [smem:$0x3FB4]  }
0x2c: {  	s7 =	sld [smem:$0x3FB5]  }
0x2d: {  	s3 =	simm.s32 $0x108;
	s8 =	sld [smem:$0x3FB6]  }
0x2e: {  	s3 =	simm.s32 @!p0 $0x1082;
	s9 =	sld [smem:$0x3FB7]  }
0x2f: {  	lr =	sadd.s32 s0, s3;
	s0 =	sld [smem:$0x3FAE]  }
0x30: {  	s3 =	sld [smem:$0x3FB1]  }
0x31: {  	[smem:$0x3FBA] =	sst s10  }
0x32: {  	s10 =	sld [smem:$0x3FB8];
	_ =	sdelay $0x3  }
0x33: {  	p0 =	seq.s32 s10, $0x1;
	s10 =	sld [smem:$0x3FBA];
	_ =	sdelay $0x3  }
0x34: {  	[smem:$0x3FBA] =	sst s10  }
0x35: {  	s10 =	sld [smem:$0x3FB9];
	_ =	sdelay $0x3  }
0x36: {  	p1 =	seq.s32 s10, $0x1;
	s10 =	sld [smem:$0x3FBA];
	_ =	sdelay $0x3  }
0x37: {  	[smem:$0x3FBA] =	sst s10  }
0x38: {  	s10 =	sld [smem:$0x3FBB]  }
0x39: {  	_ = 	snop;
	(pc) =	sbr.ind lr, $3  }
0x3a: {  	_ = 	snop  }
0x3b: {  	_ = 	snop  }
0x3c: {  	p2 =	seq.s32 s10, $0x1;
	s10 =	sld [smem:$0x3FBA]  }
0x3d: {  	_ =	shalt  }
0x3e: {  	_ =	shalt  }
0x3f: {  	_ =	shalt  }
0x40: {  	_ =	shalt  }
0x41: {  	_ =	shalt  }
0x42: {  	_ =	shalt  }
0x43: {  	_ =	shalt  }
0x44: {  	_ =	shalt  }
0x45: {  	_ =	shalt  }
0x46: {  	_ =	shalt  }
0x47: {  	_ =	shalt  }
0x48: {  	_ =	shalt  }
0x49: {  	_ =	shalt  }
0x4a: {  	_ =	shalt  }
0x4b: {  	_ =	shalt  }
0x4c: {  	_ =	shalt  }
0x4d: {  	_ =	shalt  }
0x4e: {  	_ =	shalt  }
0x4f: {  	_ =	shalt  }
0x50: {  	_ =	shalt  }
0x51: {  	_ =	shalt  }
0x52: {  	_ =	shalt  }
0x53: {  	_ =	shalt  }
0x54: {  	_ =	shalt  }
0x55: {  	_ =	shalt  }
0x56: {  	_ =	shalt  }
0x57: {  	_ =	shalt  }
0x58: {  	_ =	shalt  }
0x59: {  	_ =	shalt  }
0x5a: {  	_ =	shalt  }
0x5b: {  	_ =	shalt  }
0x5c: {  	_ =	shalt  }
0x5d: {  	_ =	shalt  }
0x5e: {  	_ =	shalt  }
0x5f: {  	_ =	shalt  }
0x60: {  	_ =	shalt  }
0x61: {  	_ =	shalt  }
0x62: {  	_ =	shalt  }
0x63: {  	_ =	shalt  }
0x64: {  	_ =	shalt  }
0x65: {  	_ =	shalt  }
0x66: {  	_ =	shalt  }
0x67: {  	_ =	shalt  }
0x68: {  	_ =	shalt  }
0x69: {  	_ =	shalt  }
0x6a: {  	_ =	shalt  }
0x6b: {  	_ =	shalt  }
0x6c: {  	_ =	shalt  }
0x6d: {  	_ =	shalt  }
0x6e: {  	_ =	shalt  }
0x6f: {  	_ =	shalt  }
0x70: {  	_ =	shalt  }
0x71: {  	_ =	shalt  }
0x72: {  	_ =	shalt  }
0x73: {  	_ =	shalt  }
0x74: {  	_ =	shalt  }
0x75: {  	_ =	shalt  }
0x76: {  	_ =	shalt  }
0x77: {  	_ =	shalt  }
0x78: {  	_ =	shalt  }
0x79: {  	_ =	shalt  }
0x7a: {  	_ =	shalt  }
0x7b: {  	_ =	shalt  }
0x7c: {  	_ =	shalt  }
0x7d: {  	_ =	shalt  }
0x7e: {  	_ =	shalt  }
0x7f: {  	_ =	shalt  }
0x80: {  	_ =	shalt  }
0x81: {  	_ =	shalt  }
0x82: {  	_ =	shalt  }
0x83: {  	_ =	shalt  }
0x84: {  	_ =	shalt  }
0x85: {  	_ =	shalt  }
0x86: {  	_ =	shalt  }
0x87: {  	_ =	shalt  }
.Lfunc_end0:
.L_simem_size_0:
called_computation_lowered:
.L_overlay_start_0:
0x88: {  	s0 =	sld [smem:$0x3FD9]  }
0x89: {  	s1 =	sld [smem:$0x3FFE];
	_ =	sdelay $0x3  }
0x8a: {  	s0 =	sadd.s32 s1, s0  }
0x8b: {  	[smem:$0x3FC6] =	sst s0  }
0x8c: {  	_ = 	snop  }
0x8d: {  	s0 =	sld [smem:$0x3FD0];
	_ =	sdelay $0x2  }
0x8e: {  	s2 =	simm.s32 $0xA;
	s3 =	simm.s32 $0x10;
	s14 =	sld [smem:$0x3FC9]  }
0x8f: {  	[smem:s3], [sflag:s2] =	dma.local [hbm:s0], $0x1  }
0x90: {  	_ =	swait.eq [sflag:s2], $0x1  }
0x91: {  	[sflag:s2] =	ssyncset.done $0x0  }
0x92: {  	s15 =	sld [smem:$0x10];
	[sflag:s2] =	ssyncadd.s32 $0xFFFFFFFF  }
0x93: {  	s16 =	sld [smem:$0x11];
	(tm) =	ssettm $0x1  }
0x94: {  	s17 =	sld [smem:$0x3FFB];
	_ =	sdelay $0x3  }
0x95: {  	_ =	strace s17  }
0x96: {  	s3 =	sld [smem:$0x3FFC];
	_ =	sdelay $0x3  }
0x97: {  	_ =	strace s3  }
0x98: {  	s3 =	sld [smem:$0x3FFD];
	_ =	sdelay $0x3  }
0x99: {  	_ =	strace s3  }
0x9a: {  	_ =	strace $0x8FFFFFFF  }
0x9b: {  	s18 =	sld [smem:$0x3FDB];
	_ =	sdelay $0x1  }
0x9c: {  	s4 =	simm.s32 $_scs_section_size  }
0x9d: {  	s5 =	simm.s32 $_size__tile_overlayer_lowered;
	s6 =	simm.s32 $_tile_overlayer_lowered  }
0x9e: {  	s21 =	simm.s32 $0x1BFF;
	s20 =	sshll.u32 s6, $0x1;
	s3 =	sadd.s32 s4, s18  }
0x9f: {  	s7 =	simm.s32 $0x0;
	s19 =	sshll.u32 s5, $0x1;
	s5 =	sadd.s32 s20, s3  }
0xa0: {  	[timem:s7], [sflag:s21] =	dma.local [hbm:s5], s19  }
0xa1: {  	_ =	swait.ge [sflag:s21], s19  }
0xa2: {  	s4 =	ssub.s32 $0x0, s19;
	[sflag:s21] =	ssyncset.done $0x0  }
0xa3: {  	[sflag:s21] =	ssyncadd.s32 s4;
	_ =	sdelay $0x1  }
0xa4: {  	s22 =	simm.s32 $0x1B8B  }
0xa5: {  	_ =	swait.ge [sflag:s22], $0x1  }
0xa6: {  	[sflag:s22] =	ssyncset.done $0x0  }
0xa7: {  	s23 =	simm.s32 $0x1B8E;
	[sflag:s22] =	ssyncadd.s32 $0xFFFFFFFF  }
0xa8: {  	s24 =	simm.s32 $execute0_lowered;
	[smem:$0x3FD2] =	sst s23  }
0xa9: {  	s4 =	sshll.u32 s24, $0x1;
	_ =	strace $0x80000046;
	[dreg:$0x1] =	wrdreg $0xFFFFFFFF  }
0xaa: {  	s25 =	simm.s32 $_size_execute0_lowered;
	s3 =	sadd.s32 s3, s4;
	[dreg:$0x0] =	wrdreg $0x0  }
0xab: {  	s4 =	sshll.u32 s25, $0x1;
	[dreg:$0x2] =	wrdreg s3  }
0xac: {  	[dreg:$0x3] =	wrdreg s4  }
0xad: {  	[dreg:$0x4] =	wrdreg $0xC0  }
0xae: {  	_ =	task [dreg:s7], $0x5FFFF  }
0xaf: {  	[dreg:$0x1] =	wrdreg $0xFFFFFFFF  }
0xb0: {  	[dreg:$0x0] =	wrdreg $0x60  }
0xb1: {  	[dreg:$0x2] =	wrdreg s14  }
0xb2: {  	[dreg:$0x3] =	wrdreg s16  }
0xb3: {  	[dreg:$0x4] =	wrdreg s15  }
0xb4: {  	[dreg:$0x5] =	wrdreg $0x9  }
0xb5: {  	_ =	task.clear_ibuf [dreg:s7], $0x6FFFF;
	_ =	strace $0x90000046  }
0xb6: {  	s26 =	simm.s32 $0x9;
	_ =	strace $0x80000048  }
0xb7: {  	_ =	swait.ge [sflag:s26], $0x1  }
0xb8: {  	[sflag:s26] =	ssyncadd.s32 $0xFFFFFFFF  }
0xb9: {  	_ =	strace $0x90000048  }
0xba: {  	_ =	sfence  }
0xbb: {  	s28 =	sld [smem:$0x0];
	_ =	sdelay $0x1  }
0xbc: {  	s29 =	srdreg.scid  }
0xbd: {  	s30 =	sshll.u32 s29, $0xD;
	s31 =	sshrl.u32 s29, $0x2  }
0xbe: {  	s1 =	sand.u32 $0x1, s29;
	s2 =	sand.u32 $0x4000, s30;
	s0 =	sadd.s32 s31, s28  }
0xbf: {  	s1 =	sor.u32 s2, s1;
	s0 =	sshll.u32 s0, $0x11  }
0xc0: {  	s0 =	sor.u32 s0, s1  }
0xc1: {  	s0 =	sadd.s32 $0x8F2B, s0  }
0xc2: {  	[sflag:s0] =	ssyncadd.remote.s32 $0x1  }
0xc3: {  	_ =	sfence.sel $0xFFFF  }
0xc4: {  	[dreg:$0x0] =	wrdreg $0xFFFFFFFF;
	(pc) =	sbr.abs _section_cstart, $3  }
0xc5: {  	[dreg:$0x1] =	wrdreg $0xFFFFFFFF  }
0xc6: {  	_ =	task.clear_ibuf [dreg:s7], $0x2FFFF;
	_ =	strace $0x9FFFFFFF  }
0xc7: {  	(tm) =	ssettm $0x7FFFFFFF  }
tec
execute0_lowered:
.L_overlay_start_1:
0x0: {  	(tag) =	ssettag $0x1  }
0x1: {  	s0 =	rddreg [dreg:$0x0]  }
0x2: {  	s1 =	rddreg [dreg:$0x1]  }
0x3: {  	s2 =	rddreg [dreg:$0x2]  }
0x4: {  	s3 =	rddreg [dreg:$0x3];
	s4 =	simm.s32 $0x0;
	s5 =	stileid.u32  }
0x5: {  	[smem:$0x7FF] =	sst s4;
	s6 =	sshll.u32 s5, $0x1  }
0x6: {  	s28 =	simm.s32 $0x2;
	_ =	strace $0x80000047;
	s1 =	sadd.s32 s1, s6  }
0x7: {  	[tilespmem:s4], [sflag:$0x2] =	stream.linear.gather [hbm4b:s1+s4], $0x10, $0x38;
	[tilespmem:$0x880] =	vst v63  }
0x8: {  	_ =	swait.ge [sflag:s28], $0x10  }
0x9: {  	s29 =	simm.s32 $0x10;
	[sflag:s28] =	ssyncset.done $0x0  }
0xa: {  	s7 =	simm.s32 $0x80;
	s30 =	simm.s32 $0x1;
	[sflag:s28] =	ssyncadd.s32 $0xFFFFFFF0  }
0xb: {  	[tilespmem:s7], [sflag:$0x1] =	stream.indirect.gather [hbm4b:s0+s29], $0x80, s4, s29, $0xb8;
	[tilespmem:$0x880] =	vst v63  }
0xc: {  	_ =	swait.ge [sflag:s30], $0x800  }
0xd: {  	s31 =	sshll.u32 s5, $0x8;
	[sflag:s30] =	ssyncset.done $0x0  }
0xe: {  	s2 =	sadd.s32 s2, s31;
	[sflag:s30] =	ssyncadd.s32 $0xFFFFF800  }
0xf: {  	[hbm4b:s2+s4] =	stream.linear.scatter [tilespmem:s7], [sflag:$0x2], $0x800, $0x38;
	[tilespmem:$0x880] =	vst v63  }
0x10: {  	_ =	swait.ge [sflag:s28], $0x800  }
0x11: {  	[sflag:s28] =	ssyncset.done $0x0  }
0x12: {  	[sflag:s28] =	ssyncadd.s32 $0xFFFFF800  }
0x13: {  	_ =	sfence.sel $0x180000  }
0x14: {  	[bflag:$0x0] =	sbarrier.arrive $0xFFFF  }
0x15: {  	p0 =	sne.s32 s5, $0x0;
	_ =	strace $0x90000047  }
0x16: {  	s0 =	sadd.s32 @!p0 $0x100000, s3;
	[bflag:$0x2] =	sbarrier.arrive $0xFFFF  }
0x17: {  	[sflag:s0] =	ssyncadd.tile.s32 @!p0 $0x1;
	_ =	shalt  }
.Lfunc_end2:
_tile_overlayer_lowered:
.L_overlay_start_2:
0x18: {  	(tag) =	ssettag $0x2  }
0x19: {  	s0 =	rddreg [dreg:$0x0];
	s2 =	stileid.u32  }
0x1a: {  	s1 =	rddreg [dreg:$0x1];
	p0 =	sne.s32 s2, $0x0  }
0x1b: {  	s3 =	rddreg [dreg:$0x2];
	[bflag:$0x3] =	sbarrier.arrive $0xFFFF;
	s2 =	simm.s32 @!p0 $0x1C02  }
0x1c: {  	[timem:s3], [sflag:s2] =	dma.local @!p0 [hbm:s0], s1  }
0x1d: {  	s0 =	simm.s32 @!p0 $0x2  }
0x1e: {  	_ =	swait.ge @!p0 [sflag:s0], s1  }
0x1f: {  	s1 =	ssub.s32 @!p0 $0x0, s1;
	[sflag:s0] =	ssyncset.done @!p0 $0x0  }
0x20: {  	[sflag:s0] =	ssyncadd.s32 @!p0 s1  }
0x21: {  	[bflag:$0x3] =	sbarrier.arrive $0xFFFF  }
0x22: {  	_ =	shalt  }

</sc_bundles>
